<compile_context>
chip_gen: v7x
topology: tpu7x:2x2x1
jax: 0.10.2.dev20260603
libtpu: 0.0.44.dev20260713+nightly
codegen_flags: <defaults>
</compile_context>

<pallas_src>
import jax
import jax.numpy as jnp
from jax import lax
from jax.experimental import pallas as pl
from jax.experimental.pallas import tpu as pltpu
from jax.experimental.pallas import tpu_sc as plsc

N_F = 26
VOCAB_SZ = 100000
EMB = 32
BATCH_SZ = 16384

NC, NS, LANES = 2, 16, 16
NW = NC * NS
PLANES = N_F * EMB
PPW = PLANES // NW
CH = 4096
NQ = BATCH_SZ // CH
UNROLL = 32


def _body(xt_hbm, tt_hbm, out_hbm, plane_v, idx_v, out_v, sem_p, sem_o0, sem_o1):
    sem_o = (sem_o0, sem_o1)
    wid = lax.axis_index("s") * NC + lax.axis_index("c")
    p0 = wid * PPW

    def wait_out(p, q):
        b = q % 2
        pltpu.make_async_copy(
            out_v.at[b], out_hbm.at[p, pl.ds(q * CH, CH)], sem_o[b]
        ).wait()

    def do_plane(i, _):
        p = p0 + i
        f = p // EMB
        cp = pltpu.async_copy(tt_hbm.at[p], plane_v, sem_p)

        @pl.when(jnp.logical_or(i == 0, p % EMB == 0))
        def _():
            pltpu.sync_copy(xt_hbm.at[f], idx_v)

        cp.wait()
        for q in range(NQ):
            b = q % 2
            if q < 2:
                @pl.when(i > 0)
                def _():
                    wait_out(p - 1, q + 2)
            else:
                wait_out(p, q - 2)

            @plsc.parallel_loop(0, CH, step=LANES, unroll=UNROLL)
            def _(o):
                ii = idx_v[pl.ds(q * CH + o, LANES)]
                out_v[b, pl.ds(o, LANES)] = plsc.load_gather(plane_v, [ii])
            pltpu.async_copy(out_v.at[b], out_hbm.at[p, pl.ds(q * CH, CH)], sem_o[b])
        return ()

    lax.fori_loop(0, PPW, do_plane, ())
    wait_out(p0 + PPW - 1, NQ - 2)
    wait_out(p0 + PPW - 1, NQ - 1)


@jax.jit
def _embed(xt, tt):
    mesh = plsc.VectorSubcoreMesh(core_axis_name="c", subcore_axis_name="s")
    run = pl.kernel(
        _body,
        out_type=jax.ShapeDtypeStruct((PLANES, BATCH_SZ), jnp.float32),
        mesh=mesh,
        scratch_types=[
            pltpu.VMEM((VOCAB_SZ,), jnp.float32),
            pltpu.VMEM((BATCH_SZ,), jnp.int32),
            pltpu.VMEM((2, CH), jnp.float32),
            pltpu.SemaphoreType.DMA,
            pltpu.SemaphoreType.DMA,
            pltpu.SemaphoreType.DMA,
        ],
        compiler_params=pltpu.CompilerParams(
            use_tc_tiling_on_sc=True, needs_layout_passes=False
        ),
    )
    return run(xt, tt)


def kernel(X, tables):
    xt = X.T
    tt = jnp.transpose(tables, (0, 2, 1)).reshape(PLANES, VOCAB_SZ)
    out_t = _embed(xt, tt)
    return out_t.T.reshape(BATCH_SZ, PLANES)

# --- scband reference (transcript-rebuilt; emitter-appended) ---
"""Pipeline reference for scband-categorical-embedder-34050500723140 (READ-ONLY COPY).

The authoritative reference and input builder live on the scoring server;
editing this copy changes nothing except your own understanding.
"""

import jax, jax.numpy as jnp
import numpy as np

N_FIELDS = 26
VOCAB = 100000
EMBED = 32
BATCH = 16384

def setup_inputs(seed: int = 0) -> dict:
    key = jax.random.key(seed)
    k1, k2 = jax.random.split(key)
    X = jax.random.randint(k1, (BATCH, N_FIELDS), 0, VOCAB, dtype=jnp.int32)
    # one embedding table per categorical field, stacked: [n_fields, vocab, embed]
    tables = jax.random.normal(k2, (N_FIELDS, VOCAB, EMBED), dtype=jnp.float32)
    return {"X": X, "tables": tables}

def reference(X, tables):
    # faithful to torch: X.permute(1,0); per-field embedding lookup; concat along feature axis
    outs = []
    for i in range(N_FIELDS):
        idx = X[:, i]                      # [B]
        outs.append(jnp.take(tables[i], idx, axis=0))  # [B, embed]
    out = jnp.concatenate(outs, axis=1)    # [B, n_fields*embed]
    return out

if __name__ == "__main__":
    import jax
    _d = setup_inputs()
    print(jax.jit(kernel)(*tuple(_d.values())))

</pallas_src>

<mosaic_0001>
#map = affine_map<(d0, d1) -> (0, 0)>
module attributes {stable_mosaic.version = 14 : i64} {
  func.func @_body(%arg0: i32, %arg1: i32, %arg2: memref<26x16384xi32, #tpu.memory_space<hbm>>, %arg3: memref<832x100000xf32, #tpu.memory_space<hbm>>, %arg4: memref<832x16384xf32, #tpu.memory_space<hbm>>, %arg5: memref<100000xf32, #tpu.memory_space<vmem>>, %arg6: memref<16384xi32, #tpu.memory_space<vmem>>, %arg7: memref<2x4096xf32, #tpu.memory_space<vmem>>, %arg8: memref<!tpu.dma_semaphore, #tpu.memory_space<semaphore_mem>>, %arg9: memref<!tpu.dma_semaphore, #tpu.memory_space<semaphore_mem>>, %arg10: memref<!tpu.dma_semaphore, #tpu.memory_space<semaphore_mem>>) attributes {dimension_semantics = [#tpu.dimension_semantics<core_parallel>, #tpu.dimension_semantics<subcore_parallel>], iteration_bounds = array<i64: 2, 16>, scalar_prefetch = 0 : i64, scratch_operands = 6 : i64, tpu.core_type = #tpu.core_type<sc_vector_subcore>, window_params = [{transform_indices = #map}, {transform_indices = #map}, {transform_indices = #map}]} {
    %mul3A = arith.constant 2 : i32
    %mul3A_0 = arith.muli %arg1, %mul3A : i32
    %add3A = arith.addi %mul3A_0, %arg0 : i32
    %mul3A_1 = arith.constant 26 : i32
    %mul3A_2 = arith.muli %add3A, %mul3A_1 : i32
    %scan3A = arith.constant 0 : i32
    %scan3A_3 = arith.constant 26 : i32
    %scan3A_4 = arith.addi %scan3A, %scan3A_3 : i32
    %scan3A_5 = arith.constant 1 : i32
    scf.for %scan3A_39 = %scan3A to %scan3A_4 step %scan3A_5  : i32 {
      %add3A_40 = arith.addi %mul3A_2, %scan3A_39 : i32
      %jit3A = arith.constant 32 : i32
      %div3A = arith.divsi %add3A_40, %jit3A : i32
      %sign3A = arith.constant 0 : i32
      %sign3A_41 = arith.cmpi sgt, %add3A_40, %sign3A : i32
      %sign3A_42 = arith.extui %sign3A_41 : i1 to i32
      %sign3A_43 = arith.constant 0 : i32
      %sign3A_44 = arith.cmpi slt, %add3A_40, %sign3A_43 : i32
      %sign3A_45 = arith.extui %sign3A_44 : i1 to i32
      %sign3A_46 = arith.subi %sign3A_42, %sign3A_45 : i32
      %sign3A_47 = arith.constant 0 : i32
      %sign3A_48 = arith.cmpi sgt, %jit3A, %sign3A_47 : i32
      %sign3A_49 = arith.extui %sign3A_48 : i1 to i32
      %sign3A_50 = arith.constant 0 : i32
      %sign3A_51 = arith.cmpi slt, %jit3A, %sign3A_50 : i32
      %sign3A_52 = arith.extui %sign3A_51 : i1 to i32
      %sign3A_53 = arith.subi %sign3A_49, %sign3A_52 : i32
      %ne3A = arith.cmpi ne, %sign3A_46, %sign3A_53 : i32
      %rem3A = arith.remsi %add3A_40, %jit3A : i32
      %ne3A_54 = arith.constant 0 : i32
      %ne3A_55 = arith.cmpi ne, %rem3A, %ne3A_54 : i32
      %and3A = arith.andi %ne3A, %ne3A_55 : i1
      %sub3A_56 = arith.constant 1 : i32
      %sub3A_57 = arith.subi %div3A, %sub3A_56 : i32
      %select_n3A = arith.select %and3A, %sub3A_57, %div3A : i32
      %dma_start3A = arith.constant 0 : i32
      %dma_start3A_58 = tpu.memref_slice %arg3[%add3A_40, %dma_start3A] : memref<832x100000xf32, #tpu.memory_space<hbm>> -> memref<1x100000xf32, #tpu.memory_space<hbm>>
      %dma_start3A_59 = tpu.memref_squeeze %dma_start3A_58 : memref<1x100000xf32, #tpu.memory_space<hbm>> -> memref<100000xf32, #tpu.memory_space<hbm>>
      %dma_start3A_60 = arith.constant 0 : i32
      %dma_start3A_61 = tpu.memref_slice %arg3[%add3A_40, %dma_start3A_60] : memref<832x100000xf32, #tpu.memory_space<hbm>> -> memref<1x100000xf32, #tpu.memory_space<hbm>>
      %dma_start3A_62 = tpu.memref_squeeze %dma_start3A_61 : memref<1x100000xf32, #tpu.memory_space<hbm>> -> memref<100000xf32, #tpu.memory_space<hbm>>
      tpu.enqueue_dma source(%dma_start3A_62 : memref<100000xf32, #tpu.memory_space<hbm>>) target(%arg5 : memref<100000xf32, #tpu.memory_space<vmem>>) target_semaphore(%arg8 : memref<!tpu.dma_semaphore, #tpu.memory_space<semaphore_mem>>)
      %eq3A = arith.constant 0 : i32
      %eq3A_63 = arith.cmpi eq, %scan3A_39, %eq3A : i32
      %jit3A_64 = arith.constant 32 : i32
      %eq3A_65 = arith.constant 0 : i32
      %eq3A_66 = arith.cmpi eq, %jit3A_64, %eq3A_65 : i32
      %jit3A_67 = arith.constant 1 : i32
      %select_n3A_68 = arith.select %eq3A_66, %jit3A_67, %jit3A_64 : i32
      %rem3A_69 = arith.remsi %add3A_40, %select_n3A_68 : i32
      %ne3A_70 = arith.constant 0 : i32
      %ne3A_71 = arith.cmpi ne, %rem3A_69, %ne3A_70 : i32
      %lt3A = arith.constant 0 : i32
      %lt3A_72 = arith.cmpi slt, %rem3A_69, %lt3A : i32
      %lt3A_73 = arith.constant 0 : i32
      %lt3A_74 = arith.cmpi slt, %select_n3A_68, %lt3A_73 : i32
      %ne3A_75 = arith.xori %lt3A_72, %lt3A_74 : i1
      %and3A_76 = arith.andi %ne3A_75, %ne3A_71 : i1
      %add3A_77 = arith.addi %rem3A_69, %select_n3A_68 : i32
      %select_n3A_78 = arith.select %and3A_76, %add3A_77, %rem3A_69 : i32
      %eq3A_79 = arith.constant 0 : i32
      %eq3A_80 = arith.cmpi eq, %select_n3A_78, %eq3A_79 : i32
      %or3A = arith.ori %eq3A_63, %eq3A_80 : i1
      %convert_element_type3A = arith.extui %or3A : i1 to i32
      %cond3A = arith.constant 0 : i32
      %cond3A_81 = arith.cmpi ne, %convert_element_type3A, %cond3A : i32
      scf.if %cond3A_81 {
        "tpu.region"() ({
          %run_scoped3A = tpu.sem_alloc : memref<!tpu.dma_semaphore, #tpu.memory_space<semaphore_mem>>
          %dma_start3A_186 = arith.constant 0 : i32
          %dma_start3A_187 = tpu.memref_slice %arg2[%select_n3A, %dma_start3A_186] : memref<26x16384xi32, #tpu.memory_space<hbm>> -> memref<1x16384xi32, #tpu.memory_space<hbm>>
          %dma_start3A_188 = tpu.memref_squeeze %dma_start3A_187 : memref<1x16384xi32, #tpu.memory_space<hbm>> -> memref<16384xi32, #tpu.memory_space<hbm>>
          %dma_start3A_189 = arith.constant 0 : i32
          %dma_start3A_190 = tpu.memref_slice %arg2[%select_n3A, %dma_start3A_189] : memref<26x16384xi32, #tpu.memory_space<hbm>> -> memref<1x16384xi32, #tpu.memory_space<hbm>>
          %dma_start3A_191 = tpu.memref_squeeze %dma_start3A_190 : memref<1x16384xi32, #tpu.memory_space<hbm>> -> memref<16384xi32, #tpu.memory_space<hbm>>
          tpu.enqueue_dma source(%dma_start3A_191 : memref<16384xi32, #tpu.memory_space<hbm>>) target(%arg6 : memref<16384xi32, #tpu.memory_space<vmem>>) target_semaphore(%run_scoped3A : memref<!tpu.dma_semaphore, #tpu.memory_space<semaphore_mem>>)
          %dma_wait3A_192 = arith.constant 0 : i32
          %dma_wait3A_193 = tpu.memref_slice %arg2[%select_n3A, %dma_wait3A_192] : memref<26x16384xi32, #tpu.memory_space<hbm>> -> memref<1x16384xi32, #tpu.memory_space<hbm>>
          %dma_wait3A_194 = tpu.memref_squeeze %dma_wait3A_193 : memref<1x16384xi32, #tpu.memory_space<hbm>> -> memref<16384xi32, #tpu.memory_space<hbm>>
          %dma_wait3A_195 = arith.constant 0 : i32
          %dma_wait3A_196 = tpu.memref_slice %arg2[%select_n3A, %dma_wait3A_195] : memref<26x16384xi32, #tpu.memory_space<hbm>> -> memref<1x16384xi32, #tpu.memory_space<hbm>>
          %dma_wait3A_197 = tpu.memref_squeeze %dma_wait3A_196 : memref<1x16384xi32, #tpu.memory_space<hbm>> -> memref<16384xi32, #tpu.memory_space<hbm>>
          tpu.wait_dma2 semaphore(%run_scoped3A : memref<!tpu.dma_semaphore, #tpu.memory_space<semaphore_mem>>) src(%dma_wait3A_197 : memref<16384xi32, #tpu.memory_space<hbm>>) dst(%arg6 : memref<16384xi32, #tpu.memory_space<vmem>>)
          tpu.yield
        }) : () -> ()
      } else {
      }
      %dma_wait3A_82 = arith.constant 0 : i32
      %dma_wait3A_83 = tpu.memref_slice %arg3[%add3A_40, %dma_wait3A_82] : memref<832x100000xf32, #tpu.memory_space<hbm>> -> memref<1x100000xf32, #tpu.memory_space<hbm>>
      %dma_wait3A_84 = tpu.memref_squeeze %dma_wait3A_83 : memref<1x100000xf32, #tpu.memory_space<hbm>> -> memref<100000xf32, #tpu.memory_space<hbm>>
      %dma_wait3A_85 = arith.constant 0 : i32
      %dma_wait3A_86 = tpu.memref_slice %arg3[%add3A_40, %dma_wait3A_85] : memref<832x100000xf32, #tpu.memory_space<hbm>> -> memref<1x100000xf32, #tpu.memory_space<hbm>>
      %dma_wait3A_87 = tpu.memref_squeeze %dma_wait3A_86 : memref<1x100000xf32, #tpu.memory_space<hbm>> -> memref<100000xf32, #tpu.memory_space<hbm>>
      tpu.wait_dma2 semaphore(%arg8 : memref<!tpu.dma_semaphore, #tpu.memory_space<semaphore_mem>>) src(%dma_wait3A_87 : memref<100000xf32, #tpu.memory_space<hbm>>) dst(%arg5 : memref<100000xf32, #tpu.memory_space<vmem>>)
      %gt3A = arith.constant 0 : i32
      %gt3A_88 = arith.cmpi sgt, %scan3A_39, %gt3A : i32
      %convert_element_type3A_89 = arith.extui %gt3A_88 : i1 to i32
      %cond3A_90 = arith.constant 0 : i32
      %cond3A_91 = arith.cmpi ne, %convert_element_type3A_89, %cond3A_90 : i32
      scf.if %cond3A_91 {
        %sub3A_186 = arith.constant 1 : i32
        %sub3A_187 = arith.subi %add3A_40, %sub3A_186 : i32
        %dma_wait3A_188 = arith.constant 0 : i32
        %dma_wait3A_189 = arith.constant 0 : i32
        %dma_wait3A_190 = tpu.memref_slice %arg7[%dma_wait3A_188, %dma_wait3A_189] : memref<2x4096xf32, #tpu.memory_space<vmem>> -> memref<1x4096xf32, #tpu.memory_space<vmem>>
        %dma_wait3A_191 = tpu.memref_squeeze %dma_wait3A_190 : memref<1x4096xf32, #tpu.memory_space<vmem>> -> memref<4096xf32, #tpu.memory_space<vmem>>
        %dma_wait3A_192 = arith.constant 8192 : i32
        %dma_wait3A_193 = tpu.memref_slice %arg4[%sub3A_187, %dma_wait3A_192] : memref<832x16384xf32, #tpu.memory_space<hbm>> -> memref<1x4096xf32, #tpu.memory_space<hbm>>
        %dma_wait3A_194 = tpu.memref_squeeze %dma_wait3A_193 : memref<1x4096xf32, #tpu.memory_space<hbm>> -> memref<4096xf32, #tpu.memory_space<hbm>>
        %dma_wait3A_195 = arith.constant 8192 : i32
        %dma_wait3A_196 = tpu.memref_slice %arg4[%sub3A_187, %dma_wait3A_195] : memref<832x16384xf32, #tpu.memory_space<hbm>> -> memref<1x4096xf32, #tpu.memory_space<hbm>>
        %dma_wait3A_197 = tpu.memref_squeeze %dma_wait3A_196 : memref<1x4096xf32, #tpu.memory_space<hbm>> -> memref<4096xf32, #tpu.memory_space<hbm>>
        %dma_wait3A_198 = arith.constant 0 : i32
        %dma_wait3A_199 = tpu.memref_slice %arg7[%dma_wait3A_188, %dma_wait3A_198] : memref<2x4096xf32, #tpu.memory_space<vmem>> -> memref<1x4096xf32, #tpu.memory_space<vmem>>
        %dma_wait3A_200 = tpu.memref_squeeze %dma_wait3A_199 : memref<1x4096xf32, #tpu.memory_space<vmem>> -> memref<4096xf32, #tpu.memory_space<vmem>>
        tpu.wait_dma2 semaphore(%arg9 : memref<!tpu.dma_semaphore, #tpu.memory_space<semaphore_mem>>) src(%dma_wait3A_200 : memref<4096xf32, #tpu.memory_space<vmem>>) dst(%dma_wait3A_197 : memref<4096xf32, #tpu.memory_space<hbm>>)
      } else {
      }
      %parallel_loop3A = arith.constant 0 : i32
      %parallel_loop3A_92 = arith.constant 4096 : i32
      %parallel_loop3A_93 = arith.constant 16 : i32
      scf.for %parallel_loop3A_186 = %parallel_loop3A to %parallel_loop3A_92 step %parallel_loop3A_93  : i32 {
        %parallel_loop3A_187 = arith.constant 0 : i32
        %parallel_loop3A_188 = arith.addi %parallel_loop3A_187, %parallel_loop3A_186 : i32
        %parallel_loop3A_189 = arith.index_cast %parallel_loop3A_188 : i32 to index
        %parallel_loop3A_190 = tpu.vector_load %arg6[%parallel_loop3A_189] {strides = array<i32>} : memref<16384xi32, #tpu.memory_space<vmem>>, vector<16xi32>,
        %parallel_loop3A_191 = tpu.vector_load_idx %arg5[%parallel_loop3A_190] : memref<100000xf32, #tpu.memory_space<vmem>>[vector<16xi32>], vector<16xf32>,
        %parallel_loop3A_192 = arith.constant 0 : i32
        %parallel_loop3A_193 = arith.index_cast %parallel_loop3A_192 : i32 to index
        %parallel_loop3A_194 = arith.index_cast %parallel_loop3A_186 : i32 to index
        %parallel_loop3A_195 = tpu.vector_load %arg7[%parallel_loop3A_193, %parallel_loop3A_194] {strides = array<i32>} : memref<2x4096xf32, #tpu.memory_space<vmem>>, vector<16xf32>,
        tpu.vector_store %arg7[%parallel_loop3A_193, %parallel_loop3A_194], %parallel_loop3A_191 {strides = array<i32>} : memref<2x4096xf32, #tpu.memory_space<vmem>>, vector<16xf32>,
      } {sc.loop_unroll_factor = 32 : i64, sc.parallel_access}
      %dma_start3A_94 = arith.constant 0 : i32
      %dma_start3A_95 = arith.constant 0 : i32
      %dma_start3A_96 = tpu.memref_slice %arg7[%dma_start3A_94, %dma_start3A_95] : memref<2x4096xf32, #tpu.memory_space<vmem>> -> memref<1x4096xf32, #tpu.memory_space<vmem>>
      %dma_start3A_97 = tpu.memref_squeeze %dma_start3A_96 : memref<1x4096xf32, #tpu.memory_space<vmem>> -> memref<4096xf32, #tpu.memory_space<vmem>>
      %dma_start3A_98 = arith.constant 0 : i32
      %dma_start3A_99 = tpu.memref_slice %arg4[%add3A_40, %dma_start3A_98] : memref<832x16384xf32, #tpu.memory_space<hbm>> -> memref<1x4096xf32, #tpu.memory_space<hbm>>
      %dma_start3A_100 = tpu.memref_squeeze %dma_start3A_99 : memref<1x4096xf32, #tpu.memory_space<hbm>> -> memref<4096xf32, #tpu.memory_space<hbm>>
      %dma_start3A_101 = arith.constant 0 : i32
      %dma_start3A_102 = tpu.memref_slice %arg4[%add3A_40, %dma_start3A_101] : memref<832x16384xf32, #tpu.memory_space<hbm>> -> memref<1x4096xf32, #tpu.memory_space<hbm>>
      %dma_start3A_103 = tpu.memref_squeeze %dma_start3A_102 : memref<1x4096xf32, #tpu.memory_space<hbm>> -> memref<4096xf32, #tpu.memory_space<hbm>>
      %dma_start3A_104 = arith.constant 0 : i32
      %dma_start3A_105 = tpu.memref_slice %arg7[%dma_start3A_94, %dma_start3A_104] : memref<2x4096xf32, #tpu.memory_space<vmem>> -> memref<1x4096xf32, #tpu.memory_space<vmem>>
      %dma_start3A_106 = tpu.memref_squeeze %dma_start3A_105 : memref<1x4096xf32, #tpu.memory_space<vmem>> -> memref<4096xf32, #tpu.memory_space<vmem>>
      tpu.enqueue_dma source(%dma_start3A_106 : memref<4096xf32, #tpu.memory_space<vmem>>) target(%dma_start3A_103 : memref<4096xf32, #tpu.memory_space<hbm>>) target_semaphore(%arg9 : memref<!tpu.dma_semaphore, #tpu.memory_space<semaphore_mem>>)
      %gt3A_107 = arith.constant 0 : i32
      %gt3A_108 = arith.cmpi sgt, %scan3A_39, %gt3A_107 : i32
      %convert_element_type3A_109 = arith.extui %gt3A_108 : i1 to i32
      %cond3A_110 = arith.constant 0 : i32
      %cond3A_111 = arith.cmpi ne, %convert_element_type3A_109, %cond3A_110 : i32
      scf.if %cond3A_111 {
        %sub3A_186 = arith.constant 1 : i32
        %sub3A_187 = arith.subi %add3A_40, %sub3A_186 : i32
        %dma_wait3A_188 = arith.constant 1 : i32
        %dma_wait3A_189 = arith.constant 0 : i32
        %dma_wait3A_190 = tpu.memref_slice %arg7[%dma_wait3A_188, %dma_wait3A_189] : memref<2x4096xf32, #tpu.memory_space<vmem>> -> memref<1x4096xf32, #tpu.memory_space<vmem>>
        %dma_wait3A_191 = tpu.memref_squeeze %dma_wait3A_190 : memref<1x4096xf32, #tpu.memory_space<vmem>> -> memref<4096xf32, #tpu.memory_space<vmem>>
        %dma_wait3A_192 = arith.constant 12288 : i32
        %dma_wait3A_193 = tpu.memref_slice %arg4[%sub3A_187, %dma_wait3A_192] : memref<832x16384xf32, #tpu.memory_space<hbm>> -> memref<1x4096xf32, #tpu.memory_space<hbm>>
        %dma_wait3A_194 = tpu.memref_squeeze %dma_wait3A_193 : memref<1x4096xf32, #tpu.memory_space<hbm>> -> memref<4096xf32, #tpu.memory_space<hbm>>
        %dma_wait3A_195 = arith.constant 12288 : i32
        %dma_wait3A_196 = tpu.memref_slice %arg4[%sub3A_187, %dma_wait3A_195] : memref<832x16384xf32, #tpu.memory_space<hbm>> -> memref<1x4096xf32, #tpu.memory_space<hbm>>
        %dma_wait3A_197 = tpu.memref_squeeze %dma_wait3A_196 : memref<1x4096xf32, #tpu.memory_space<hbm>> -> memref<4096xf32, #tpu.memory_space<hbm>>
        %dma_wait3A_198 = arith.constant 0 : i32
        %dma_wait3A_199 = tpu.memref_slice %arg7[%dma_wait3A_188, %dma_wait3A_198] : memref<2x4096xf32, #tpu.memory_space<vmem>> -> memref<1x4096xf32, #tpu.memory_space<vmem>>
        %dma_wait3A_200 = tpu.memref_squeeze %dma_wait3A_199 : memref<1x4096xf32, #tpu.memory_space<vmem>> -> memref<4096xf32, #tpu.memory_space<vmem>>
        tpu.wait_dma2 semaphore(%arg10 : memref<!tpu.dma_semaphore, #tpu.memory_space<semaphore_mem>>) src(%dma_wait3A_200 : memref<4096xf32, #tpu.memory_space<vmem>>) dst(%dma_wait3A_197 : memref<4096xf32, #tpu.memory_space<hbm>>)
      } else {
      }
      %parallel_loop3A_112 = arith.constant 0 : i32
      %parallel_loop3A_113 = arith.constant 4096 : i32
      %parallel_loop3A_114 = arith.constant 16 : i32
      scf.for %parallel_loop3A_186 = %parallel_loop3A_112 to %parallel_loop3A_113 step %parallel_loop3A_114  : i32 {
        %parallel_loop3A_187 = arith.constant 4096 : i32
        %parallel_loop3A_188 = arith.addi %parallel_loop3A_187, %parallel_loop3A_186 : i32
        %parallel_loop3A_189 = arith.index_cast %parallel_loop3A_188 : i32 to index
        %parallel_loop3A_190 = tpu.vector_load %arg6[%parallel_loop3A_189] {strides = array<i32>} : memref<16384xi32, #tpu.memory_space<vmem>>, vector<16xi32>,
        %parallel_loop3A_191 = tpu.vector_load_idx %arg5[%parallel_loop3A_190] : memref<100000xf32, #tpu.memory_space<vmem>>[vector<16xi32>], vector<16xf32>,
        %parallel_loop3A_192 = arith.constant 1 : i32
        %parallel_loop3A_193 = arith.index_cast %parallel_loop3A_192 : i32 to index
        %parallel_loop3A_194 = arith.index_cast %parallel_loop3A_186 : i32 to index
        %parallel_loop3A_195 = tpu.vector_load %arg7[%parallel_loop3A_193, %parallel_loop3A_194] {strides = array<i32>} : memref<2x4096xf32, #tpu.memory_space<vmem>>, vector<16xf32>,
        tpu.vector_store %arg7[%parallel_loop3A_193, %parallel_loop3A_194], %parallel_loop3A_191 {strides = array<i32>} : memref<2x4096xf32, #tpu.memory_space<vmem>>, vector<16xf32>,
      } {sc.loop_unroll_factor = 32 : i64, sc.parallel_access}
      %dma_start3A_115 = arith.constant 1 : i32
      %dma_start3A_116 = arith.constant 0 : i32
      %dma_start3A_117 = tpu.memref_slice %arg7[%dma_start3A_115, %dma_start3A_116] : memref<2x4096xf32, #tpu.memory_space<vmem>> -> memref<1x4096xf32, #tpu.memory_space<vmem>>
      %dma_start3A_118 = tpu.memref_squeeze %dma_start3A_117 : memref<1x4096xf32, #tpu.memory_space<vmem>> -> memref<4096xf32, #tpu.memory_space<vmem>>
      %dma_start3A_119 = arith.constant 4096 : i32
      %dma_start3A_120 = tpu.memref_slice %arg4[%add3A_40, %dma_start3A_119] : memref<832x16384xf32, #tpu.memory_space<hbm>> -> memref<1x4096xf32, #tpu.memory_space<hbm>>
      %dma_start3A_121 = tpu.memref_squeeze %dma_start3A_120 : memref<1x4096xf32, #tpu.memory_space<hbm>> -> memref<4096xf32, #tpu.memory_space<hbm>>
      %dma_start3A_122 = arith.constant 4096 : i32
      %dma_start3A_123 = tpu.memref_slice %arg4[%add3A_40, %dma_start3A_122] : memref<832x16384xf32, #tpu.memory_space<hbm>> -> memref<1x4096xf32, #tpu.memory_space<hbm>>
      %dma_start3A_124 = tpu.memref_squeeze %dma_start3A_123 : memref<1x4096xf32, #tpu.memory_space<hbm>> -> memref<4096xf32, #tpu.memory_space<hbm>>
      %dma_start3A_125 = arith.constant 0 : i32
      %dma_start3A_126 = tpu.memref_slice %arg7[%dma_start3A_115, %dma_start3A_125] : memref<2x4096xf32, #tpu.memory_space<vmem>> -> memref<1x4096xf32, #tpu.memory_space<vmem>>
      %dma_start3A_127 = tpu.memref_squeeze %dma_start3A_126 : memref<1x4096xf32, #tpu.memory_space<vmem>> -> memref<4096xf32, #tpu.memory_space<vmem>>
      tpu.enqueue_dma source(%dma_start3A_127 : memref<4096xf32, #tpu.memory_space<vmem>>) target(%dma_start3A_124 : memref<4096xf32, #tpu.memory_space<hbm>>) target_semaphore(%arg10 : memref<!tpu.dma_semaphore, #tpu.memory_space<semaphore_mem>>)
      %dma_wait3A_128 = arith.constant 0 : i32
      %dma_wait3A_129 = arith.constant 0 : i32
      %dma_wait3A_130 = tpu.memref_slice %arg7[%dma_wait3A_128, %dma_wait3A_129] : memref<2x4096xf32, #tpu.memory_space<vmem>> -> memref<1x4096xf32, #tpu.memory_space<vmem>>
      %dma_wait3A_131 = tpu.memref_squeeze %dma_wait3A_130 : memref<1x4096xf32, #tpu.memory_space<vmem>> -> memref<4096xf32, #tpu.memory_space<vmem>>
      %dma_wait3A_132 = arith.constant 0 : i32
      %dma_wait3A_133 = tpu.memref_slice %arg4[%add3A_40, %dma_wait3A_132] : memref<832x16384xf32, #tpu.memory_space<hbm>> -> memref<1x4096xf32, #tpu.memory_space<hbm>>
      %dma_wait3A_134 = tpu.memref_squeeze %dma_wait3A_133 : memref<1x4096xf32, #tpu.memory_space<hbm>> -> memref<4096xf32, #tpu.memory_space<hbm>>
      %dma_wait3A_135 = arith.constant 0 : i32
      %dma_wait3A_136 = tpu.memref_slice %arg4[%add3A_40, %dma_wait3A_135] : memref<832x16384xf32, #tpu.memory_space<hbm>> -> memref<1x4096xf32, #tpu.memory_space<hbm>>
      %dma_wait3A_137 = tpu.memref_squeeze %dma_wait3A_136 : memref<1x4096xf32, #tpu.memory_space<hbm>> -> memref<4096xf32, #tpu.memory_space<hbm>>
      %dma_wait3A_138 = arith.constant 0 : i32
      %dma_wait3A_139 = tpu.memref_slice %arg7[%dma_wait3A_128, %dma_wait3A_138] : memref<2x4096xf32, #tpu.memory_space<vmem>> -> memref<1x4096xf32, #tpu.memory_space<vmem>>
      %dma_wait3A_140 = tpu.memref_squeeze %dma_wait3A_139 : memref<1x4096xf32, #tpu.memory_space<vmem>> -> memref<4096xf32, #tpu.memory_space<vmem>>
      tpu.wait_dma2 semaphore(%arg9 : memref<!tpu.dma_semaphore, #tpu.memory_space<semaphore_mem>>) src(%dma_wait3A_140 : memref<4096xf32, #tpu.memory_space<vmem>>) dst(%dma_wait3A_137 : memref<4096xf32, #tpu.memory_space<hbm>>)
      %parallel_loop3A_141 = arith.constant 0 : i32
      %parallel_loop3A_142 = arith.constant 4096 : i32
      %parallel_loop3A_143 = arith.constant 16 : i32
      scf.for %parallel_loop3A_186 = %parallel_loop3A_141 to %parallel_loop3A_142 step %parallel_loop3A_143  : i32 {
        %parallel_loop3A_187 = arith.constant 8192 : i32
        %parallel_loop3A_188 = arith.addi %parallel_loop3A_187, %parallel_loop3A_186 : i32
        %parallel_loop3A_189 = arith.index_cast %parallel_loop3A_188 : i32 to index
        %parallel_loop3A_190 = tpu.vector_load %arg6[%parallel_loop3A_189] {strides = array<i32>} : memref<16384xi32, #tpu.memory_space<vmem>>, vector<16xi32>,
        %parallel_loop3A_191 = tpu.vector_load_idx %arg5[%parallel_loop3A_190] : memref<100000xf32, #tpu.memory_space<vmem>>[vector<16xi32>], vector<16xf32>,
        %parallel_loop3A_192 = arith.constant 0 : i32
        %parallel_loop3A_193 = arith.index_cast %parallel_loop3A_192 : i32 to index
        %parallel_loop3A_194 = arith.index_cast %parallel_loop3A_186 : i32 to index
        %parallel_loop3A_195 = tpu.vector_load %arg7[%parallel_loop3A_193, %parallel_loop3A_194] {strides = array<i32>} : memref<2x4096xf32, #tpu.memory_space<vmem>>, vector<16xf32>,
        tpu.vector_store %arg7[%parallel_loop3A_193, %parallel_loop3A_194], %parallel_loop3A_191 {strides = array<i32>} : memref<2x4096xf32, #tpu.memory_space<vmem>>, vector<16xf32>,
      } {sc.loop_unroll_factor = 32 : i64, sc.parallel_access}
      %dma_start3A_144 = arith.constant 0 : i32
      %dma_start3A_145 = arith.constant 0 : i32
      %dma_start3A_146 = tpu.memref_slice %arg7[%dma_start3A_144, %dma_start3A_145] : memref<2x4096xf32, #tpu.memory_space<vmem>> -> memref<1x4096xf32, #tpu.memory_space<vmem>>
      %dma_start3A_147 = tpu.memref_squeeze %dma_start3A_146 : memref<1x4096xf32, #tpu.memory_space<vmem>> -> memref<4096xf32, #tpu.memory_space<vmem>>
      %dma_start3A_148 = arith.constant 8192 : i32
      %dma_start3A_149 = tpu.memref_slice %arg4[%add3A_40, %dma_start3A_148] : memref<832x16384xf32, #tpu.memory_space<hbm>> -> memref<1x4096xf32, #tpu.memory_space<hbm>>
      %dma_start3A_150 = tpu.memref_squeeze %dma_start3A_149 : memref<1x4096xf32, #tpu.memory_space<hbm>> -> memref<4096xf32, #tpu.memory_space<hbm>>
      %dma_start3A_151 = arith.constant 8192 : i32
      %dma_start3A_152 = tpu.memref_slice %arg4[%add3A_40, %dma_start3A_151] : memref<832x16384xf32, #tpu.memory_space<hbm>> -> memref<1x4096xf32, #tpu.memory_space<hbm>>
      %dma_start3A_153 = tpu.memref_squeeze %dma_start3A_152 : memref<1x4096xf32, #tpu.memory_space<hbm>> -> memref<4096xf32, #tpu.memory_space<hbm>>
      %dma_start3A_154 = arith.constant 0 : i32
      %dma_start3A_155 = tpu.memref_slice %arg7[%dma_start3A_144, %dma_start3A_154] : memref<2x4096xf32, #tpu.memory_space<vmem>> -> memref<1x4096xf32, #tpu.memory_space<vmem>>
      %dma_start3A_156 = tpu.memref_squeeze %dma_start3A_155 : memref<1x4096xf32, #tpu.memory_space<vmem>> -> memref<4096xf32, #tpu.memory_space<vmem>>
      tpu.enqueue_dma source(%dma_start3A_156 : memref<4096xf32, #tpu.memory_space<vmem>>) target(%dma_start3A_153 : memref<4096xf32, #tpu.memory_space<hbm>>) target_semaphore(%arg9 : memref<!tpu.dma_semaphore, #tpu.memory_space<semaphore_mem>>)
      %dma_wait3A_157 = arith.constant 1 : i32
      %dma_wait3A_158 = arith.constant 0 : i32
      %dma_wait3A_159 = tpu.memref_slice %arg7[%dma_wait3A_157, %dma_wait3A_158] : memref<2x4096xf32, #tpu.memory_space<vmem>> -> memref<1x4096xf32, #tpu.memory_space<vmem>>
      %dma_wait3A_160 = tpu.memref_squeeze %dma_wait3A_159 : memref<1x4096xf32, #tpu.memory_space<vmem>> -> memref<4096xf32, #tpu.memory_space<vmem>>
      %dma_wait3A_161 = arith.constant 4096 : i32
      %dma_wait3A_162 = tpu.memref_slice %arg4[%add3A_40, %dma_wait3A_161] : memref<832x16384xf32, #tpu.memory_space<hbm>> -> memref<1x4096xf32, #tpu.memory_space<hbm>>
      %dma_wait3A_163 = tpu.memref_squeeze %dma_wait3A_162 : memref<1x4096xf32, #tpu.memory_space<hbm>> -> memref<4096xf32, #tpu.memory_space<hbm>>
      %dma_wait3A_164 = arith.constant 4096 : i32
      %dma_wait3A_165 = tpu.memref_slice %arg4[%add3A_40, %dma_wait3A_164] : memref<832x16384xf32, #tpu.memory_space<hbm>> -> memref<1x4096xf32, #tpu.memory_space<hbm>>
      %dma_wait3A_166 = tpu.memref_squeeze %dma_wait3A_165 : memref<1x4096xf32, #tpu.memory_space<hbm>> -> memref<4096xf32, #tpu.memory_space<hbm>>
      %dma_wait3A_167 = arith.constant 0 : i32
      %dma_wait3A_168 = tpu.memref_slice %arg7[%dma_wait3A_157, %dma_wait3A_167] : memref<2x4096xf32, #tpu.memory_space<vmem>> -> memref<1x4096xf32, #tpu.memory_space<vmem>>
      %dma_wait3A_169 = tpu.memref_squeeze %dma_wait3A_168 : memref<1x4096xf32, #tpu.memory_space<vmem>> -> memref<4096xf32, #tpu.memory_space<vmem>>
      tpu.wait_dma2 semaphore(%arg10 : memref<!tpu.dma_semaphore, #tpu.memory_space<semaphore_mem>>) src(%dma_wait3A_169 : memref<4096xf32, #tpu.memory_space<vmem>>) dst(%dma_wait3A_166 : memref<4096xf32, #tpu.memory_space<hbm>>)
      %parallel_loop3A_170 = arith.constant 0 : i32
      %parallel_loop3A_171 = arith.constant 4096 : i32
      %parallel_loop3A_172 = arith.constant 16 : i32
      scf.for %parallel_loop3A_186 = %parallel_loop3A_170 to %parallel_loop3A_171 step %parallel_loop3A_172  : i32 {
        %parallel_loop3A_187 = arith.constant 12288 : i32
        %parallel_loop3A_188 = arith.addi %parallel_loop3A_187, %parallel_loop3A_186 : i32
        %parallel_loop3A_189 = arith.index_cast %parallel_loop3A_188 : i32 to index
        %parallel_loop3A_190 = tpu.vector_load %arg6[%parallel_loop3A_189] {strides = array<i32>} : memref<16384xi32, #tpu.memory_space<vmem>>, vector<16xi32>,
        %parallel_loop3A_191 = tpu.vector_load_idx %arg5[%parallel_loop3A_190] : memref<100000xf32, #tpu.memory_space<vmem>>[vector<16xi32>], vector<16xf32>,
        %parallel_loop3A_192 = arith.constant 1 : i32
        %parallel_loop3A_193 = arith.index_cast %parallel_loop3A_192 : i32 to index
        %parallel_loop3A_194 = arith.index_cast %parallel_loop3A_186 : i32 to index
        %parallel_loop3A_195 = tpu.vector_load %arg7[%parallel_loop3A_193, %parallel_loop3A_194] {strides = array<i32>} : memref<2x4096xf32, #tpu.memory_space<vmem>>, vector<16xf32>,
        tpu.vector_store %arg7[%parallel_loop3A_193, %parallel_loop3A_194], %parallel_loop3A_191 {strides = array<i32>} : memref<2x4096xf32, #tpu.memory_space<vmem>>, vector<16xf32>,
      } {sc.loop_unroll_factor = 32 : i64, sc.parallel_access}
      %dma_start3A_173 = arith.constant 1 : i32
      %dma_start3A_174 = arith.constant 0 : i32
      %dma_start3A_175 = tpu.memref_slice %arg7[%dma_start3A_173, %dma_start3A_174] : memref<2x4096xf32, #tpu.memory_space<vmem>> -> memref<1x4096xf32, #tpu.memory_space<vmem>>
      %dma_start3A_176 = tpu.memref_squeeze %dma_start3A_175 : memref<1x4096xf32, #tpu.memory_space<vmem>> -> memref<4096xf32, #tpu.memory_space<vmem>>
      %dma_start3A_177 = arith.constant 12288 : i32
      %dma_start3A_178 = tpu.memref_slice %arg4[%add3A_40, %dma_start3A_177] : memref<832x16384xf32, #tpu.memory_space<hbm>> -> memref<1x4096xf32, #tpu.memory_space<hbm>>
      %dma_start3A_179 = tpu.memref_squeeze %dma_start3A_178 : memref<1x4096xf32, #tpu.memory_space<hbm>> -> memref<4096xf32, #tpu.memory_space<hbm>>
      %dma_start3A_180 = arith.constant 12288 : i32
      %dma_start3A_181 = tpu.memref_slice %arg4[%add3A_40, %dma_start3A_180] : memref<832x16384xf32, #tpu.memory_space<hbm>> -> memref<1x4096xf32, #tpu.memory_space<hbm>>
      %dma_start3A_182 = tpu.memref_squeeze %dma_start3A_181 : memref<1x4096xf32, #tpu.memory_space<hbm>> -> memref<4096xf32, #tpu.memory_space<hbm>>
      %dma_start3A_183 = arith.constant 0 : i32
      %dma_start3A_184 = tpu.memref_slice %arg7[%dma_start3A_173, %dma_start3A_183] : memref<2x4096xf32, #tpu.memory_space<vmem>> -> memref<1x4096xf32, #tpu.memory_space<vmem>>
      %dma_start3A_185 = tpu.memref_squeeze %dma_start3A_184 : memref<1x4096xf32, #tpu.memory_space<vmem>> -> memref<4096xf32, #tpu.memory_space<vmem>>
      tpu.enqueue_dma source(%dma_start3A_185 : memref<4096xf32, #tpu.memory_space<vmem>>) target(%dma_start3A_182 : memref<4096xf32, #tpu.memory_space<hbm>>) target_semaphore(%arg10 : memref<!tpu.dma_semaphore, #tpu.memory_space<semaphore_mem>>)
    }
    %scan3A_6 = arith.constant 26 : i32
    %add3A_7 = arith.constant 26 : i32
    %add3A_8 = arith.addi %mul3A_2, %add3A_7 : i32
    %sub3A = arith.constant 1 : i32
    %sub3A_9 = arith.subi %add3A_8, %sub3A : i32
    %dma_wait3A = arith.constant 0 : i32
    %dma_wait3A_10 = arith.constant 0 : i32
    %dma_wait3A_11 = tpu.memref_slice %arg7[%dma_wait3A, %dma_wait3A_10] : memref<2x4096xf32, #tpu.memory_space<vmem>> -> memref<1x4096xf32, #tpu.memory_space<vmem>>
    %dma_wait3A_12 = tpu.memref_squeeze %dma_wait3A_11 : memref<1x4096xf32, #tpu.memory_space<vmem>> -> memref<4096xf32, #tpu.memory_space<vmem>>
    %dma_wait3A_13 = arith.constant 8192 : i32
    %dma_wait3A_14 = tpu.memref_slice %arg4[%sub3A_9, %dma_wait3A_13] : memref<832x16384xf32, #tpu.memory_space<hbm>> -> memref<1x4096xf32, #tpu.memory_space<hbm>>
    %dma_wait3A_15 = tpu.memref_squeeze %dma_wait3A_14 : memref<1x4096xf32, #tpu.memory_space<hbm>> -> memref<4096xf32, #tpu.memory_space<hbm>>
    %dma_wait3A_16 = arith.constant 8192 : i32
    %dma_wait3A_17 = tpu.memref_slice %arg4[%sub3A_9, %dma_wait3A_16] : memref<832x16384xf32, #tpu.memory_space<hbm>> -> memref<1x4096xf32, #tpu.memory_space<hbm>>
    %dma_wait3A_18 = tpu.memref_squeeze %dma_wait3A_17 : memref<1x4096xf32, #tpu.memory_space<hbm>> -> memref<4096xf32, #tpu.memory_space<hbm>>
    %dma_wait3A_19 = arith.constant 0 : i32
    %dma_wait3A_20 = tpu.memref_slice %arg7[%dma_wait3A, %dma_wait3A_19] : memref<2x4096xf32, #tpu.memory_space<vmem>> -> memref<1x4096xf32, #tpu.memory_space<vmem>>
    %dma_wait3A_21 = tpu.memref_squeeze %dma_wait3A_20 : memref<1x4096xf32, #tpu.memory_space<vmem>> -> memref<4096xf32, #tpu.memory_space<vmem>>
    tpu.wait_dma2 semaphore(%arg9 : memref<!tpu.dma_semaphore, #tpu.memory_space<semaphore_mem>>) src(%dma_wait3A_21 : memref<4096xf32, #tpu.memory_space<vmem>>) dst(%dma_wait3A_18 : memref<4096xf32, #tpu.memory_space<hbm>>)
    %add3A_22 = arith.constant 26 : i32
    %add3A_23 = arith.addi %mul3A_2, %add3A_22 : i32
    %sub3A_24 = arith.constant 1 : i32
    %sub3A_25 = arith.subi %add3A_23, %sub3A_24 : i32
    %dma_wait3A_26 = arith.constant 1 : i32
    %dma_wait3A_27 = arith.constant 0 : i32
    %dma_wait3A_28 = tpu.memref_slice %arg7[%dma_wait3A_26, %dma_wait3A_27] : memref<2x4096xf32, #tpu.memory_space<vmem>> -> memref<1x4096xf32, #tpu.memory_space<vmem>>
    %dma_wait3A_29 = tpu.memref_squeeze %dma_wait3A_28 : memref<1x4096xf32, #tpu.memory_space<vmem>> -> memref<4096xf32, #tpu.memory_space<vmem>>
    %dma_wait3A_30 = arith.constant 12288 : i32
    %dma_wait3A_31 = tpu.memref_slice %arg4[%sub3A_25, %dma_wait3A_30] : memref<832x16384xf32, #tpu.memory_space<hbm>> -> memref<1x4096xf32, #tpu.memory_space<hbm>>
    %dma_wait3A_32 = tpu.memref_squeeze %dma_wait3A_31 : memref<1x4096xf32, #tpu.memory_space<hbm>> -> memref<4096xf32, #tpu.memory_space<hbm>>
    %dma_wait3A_33 = arith.constant 12288 : i32
    %dma_wait3A_34 = tpu.memref_slice %arg4[%sub3A_25, %dma_wait3A_33] : memref<832x16384xf32, #tpu.memory_space<hbm>> -> memref<1x4096xf32, #tpu.memory_space<hbm>>
    %dma_wait3A_35 = tpu.memref_squeeze %dma_wait3A_34 : memref<1x4096xf32, #tpu.memory_space<hbm>> -> memref<4096xf32, #tpu.memory_space<hbm>>
    %dma_wait3A_36 = arith.constant 0 : i32
    %dma_wait3A_37 = tpu.memref_slice %arg7[%dma_wait3A_26, %dma_wait3A_36] : memref<2x4096xf32, #tpu.memory_space<vmem>> -> memref<1x4096xf32, #tpu.memory_space<vmem>>
    %dma_wait3A_38 = tpu.memref_squeeze %dma_wait3A_37 : memref<1x4096xf32, #tpu.memory_space<vmem>> -> memref<4096xf32, #tpu.memory_space<vmem>>
    tpu.wait_dma2 semaphore(%arg10 : memref<!tpu.dma_semaphore, #tpu.memory_space<semaphore_mem>>) src(%dma_wait3A_38 : memref<4096xf32, #tpu.memory_space<vmem>>) dst(%dma_wait3A_35 : memref<4096xf32, #tpu.memory_space<hbm>>)
    return
  }
}

</mosaic_0001>

<sc_bundles>
// kernel: _embed.3.cloned.1.call-start
scs
__scs_entry_jumppad:
0x0: {  	(pc) =	sbr.rel $0x88, $3  }
0x1: {  	(tag) =	ssettag $0x0;
	lr =	simm.s32 $0x1  }
0x2: {  	[smem:$0x3F9F] =	sst lr;
	_ =	strace $0xD0000000  }
0x3: {  	_ = 	snop  }
0x4: {  	_ = 	snop  }
0x5: {  	_ = 	snop  }
0x6: {  	_ = 	snop  }
0x7: {  	_ = 	snop  }
__scs_overlays_trampoline_lowered:
0x8: {  	[smem:$0x3FAE] =	sst s0  }
0x9: {  	[smem:$0x3FAF] =	sst s1  }
0xa: {  	[smem:$0x3FB0] =	sst s2  }
0xb: {  	[smem:$0x3FB1] =	sst s3  }
0xc: {  	[smem:$0x3FB2] =	sst s4  }
0xd: {  	[smem:$0x3FB3] =	sst s5  }
0xe: {  	[smem:$0x3FB4] =	sst s6  }
0xf: {  	[smem:$0x3FB5] =	sst s7  }
0x10: {  	[smem:$0x3FB6] =	sst s8  }
0x11: {  	[smem:$0x3FB7] =	sst s9;
	s0 =	simm.s32 @!p0 $0x0  }
0x12: {  	s1 =	sld [smem:$0x3F9D];
	s0 =	simm.s32 @p0 $0x1  }
0x13: {  	[smem:$0x3FB8] =	sst s0;
	s0 =	simm.s32 @!p1 $0x0  }
0x14: {  	s2 =	sld [smem:$0x3F9C];
	s0 =	simm.s32 @p1 $0x1  }
0x15: {  	[smem:$0x3FB9] =	sst s0;
	s0 =	simm.s32 @!p2 $0x0  }
0x16: {  	s3 =	sld [smem:$0x3FDB];
	s0 =	simm.s32 @p2 $0x1  }
0x17: {  	s4 =	simm.s32 $0x1BF5;
	[smem:$0x3FBB] =	sst s0  }
0x18: {  	s0 =	sld [smem:$0x3F9E];
	_ =	swait.ge [sflag:s4], $0x0  }
0x19: {  	s7 =	sld [smem:$0x3F9F]  }
0x1a: {  	s8 =	sadd.s32 $0xFFFFE003, lr  }
0x1b: {  	s9 =	sadd.s32 $0xFFFFFEF7, lr;
	s5 =	simm.s32 $0xFFFFFFFF;
	p2 =	slt.u32 s8, $0xFFFFF086  }
0x1c: {  	p1 =	slt.u32 s9, $0xF7A;
	s5 =	simm.s32 @!p2 $0x0  }
0x1d: {  	s5 =	simm.s32 @p1 $0x1;
	p0 =	seq.s32 s7, s2  }
0x1e: {  	s7 =	smul.u32 @!p0 $0xF7A, s2;
	p2 =	seq.s32 @!p0 s5, $0x0  }
0x1f: {  	s9 =	smul.u32 $0xF7A, s1;
	s8 =	simm.s32 @!p0 $0x1BF5;
	p2 =	por !p2, p0  }
0x20: {  	[sflag:s8] =	ssyncset.s32 @!p0 $0xFFFFF086;
	s6 =	sadd.s32 @!p0 s3, s7;
	s7 =	simm.s32 @!p0 $0x108  }
0x21: {  	s3 =	sadd.s32 s3, s9;
	s6 =	sadd.s32 @!p0 $0x88, s6;
	s7 =	simm.s32 @p2 $0x1082  }
0x22: {  	[simem:s7], [sflag:s8] =	dma.local @!p0 [hbm:s6], $0xF7A  }
0x23: {  	s9 =	sor.u32 $0xD0000000, s2;
	s6 =	simm.s32 $0x108;
	_ =	swait.ge @!p0 [sflag:s8], $0x0  }
0x24: {  	s3 =	sadd.s32 $0x88, s3;
	s6 =	simm.s32 @!p1 $0x1082;
	[sflag:s4] =	ssyncset.s32 $0xFFFFF086  }
0x25: {  	[simem:s6], [sflag:s4] =	dma.local [hbm:s3], $0xF7A  }
0x26: {  	[smem:$0x3F9F] =	sst s1;
	(tag) =	ssettag s2;
	_ =	strace s9  }
0x27: {  	s1 =	sld [smem:$0x3FAF]  }
0x28: {  	s2 =	sld [smem:$0x3FB0]  }
0x29: {  	s4 =	sld [smem:$0x3FB2]  }
0x2a: {  	p0 =	seq.s32 s5, $0x0;
	s5 =	sld [smem:$0x3FB3]  }
0x2b: {  	s6 =	sld [smem:$0x3FB4]  }
0x2c: {  	s7 =	sld [smem:$0x3FB5]  }
0x2d: {  	s3 =	simm.s32 $0x108;
	s8 =	sld [smem:$0x3FB6]  }
0x2e: {  	s3 =	simm.s32 @!p0 $0x1082;
	s9 =	sld [smem:$0x3FB7]  }
0x2f: {  	lr =	sadd.s32 s0, s3;
	s0 =	sld [smem:$0x3FAE]  }
0x30: {  	s3 =	sld [smem:$0x3FB1]  }
0x31: {  	[smem:$0x3FBA] =	sst s10  }
0x32: {  	s10 =	sld [smem:$0x3FB8];
	_ =	sdelay $0x3  }
0x33: {  	p0 =	seq.s32 s10, $0x1;
	s10 =	sld [smem:$0x3FBA];
	_ =	sdelay $0x3  }
0x34: {  	[smem:$0x3FBA] =	sst s10  }
0x35: {  	s10 =	sld [smem:$0x3FB9];
	_ =	sdelay $0x3  }
0x36: {  	p1 =	seq.s32 s10, $0x1;
	s10 =	sld [smem:$0x3FBA];
	_ =	sdelay $0x3  }
0x37: {  	[smem:$0x3FBA] =	sst s10  }
0x38: {  	s10 =	sld [smem:$0x3FBB]  }
0x39: {  	_ = 	snop;
	(pc) =	sbr.ind lr, $3  }
0x3a: {  	_ = 	snop  }
0x3b: {  	_ = 	snop  }
0x3c: {  	p2 =	seq.s32 s10, $0x1;
	s10 =	sld [smem:$0x3FBA]  }
0x3d: {  	_ =	shalt  }
0x3e: {  	_ =	shalt  }
0x3f: {  	_ =	shalt  }
0x40: {  	_ =	shalt  }
0x41: {  	_ =	shalt  }
0x42: {  	_ =	shalt  }
0x43: {  	_ =	shalt  }
0x44: {  	_ =	shalt  }
0x45: {  	_ =	shalt  }
0x46: {  	_ =	shalt  }
0x47: {  	_ =	shalt  }
0x48: {  	_ =	shalt  }
0x49: {  	_ =	shalt  }
0x4a: {  	_ =	shalt  }
0x4b: {  	_ =	shalt  }
0x4c: {  	_ =	shalt  }
0x4d: {  	_ =	shalt  }
0x4e: {  	_ =	shalt  }
0x4f: {  	_ =	shalt  }
0x50: {  	_ =	shalt  }
0x51: {  	_ =	shalt  }
0x52: {  	_ =	shalt  }
0x53: {  	_ =	shalt  }
0x54: {  	_ =	shalt  }
0x55: {  	_ =	shalt  }
0x56: {  	_ =	shalt  }
0x57: {  	_ =	shalt  }
0x58: {  	_ =	shalt  }
0x59: {  	_ =	shalt  }
0x5a: {  	_ =	shalt  }
0x5b: {  	_ =	shalt  }
0x5c: {  	_ =	shalt  }
0x5d: {  	_ =	shalt  }
0x5e: {  	_ =	shalt  }
0x5f: {  	_ =	shalt  }
0x60: {  	_ =	shalt  }
0x61: {  	_ =	shalt  }
0x62: {  	_ =	shalt  }
0x63: {  	_ =	shalt  }
0x64: {  	_ =	shalt  }
0x65: {  	_ =	shalt  }
0x66: {  	_ =	shalt  }
0x67: {  	_ =	shalt  }
0x68: {  	_ =	shalt  }
0x69: {  	_ =	shalt  }
0x6a: {  	_ =	shalt  }
0x6b: {  	_ =	shalt  }
0x6c: {  	_ =	shalt  }
0x6d: {  	_ =	shalt  }
0x6e: {  	_ =	shalt  }
0x6f: {  	_ =	shalt  }
0x70: {  	_ =	shalt  }
0x71: {  	_ =	shalt  }
0x72: {  	_ =	shalt  }
0x73: {  	_ =	shalt  }
0x74: {  	_ =	shalt  }
0x75: {  	_ =	shalt  }
0x76: {  	_ =	shalt  }
0x77: {  	_ =	shalt  }
0x78: {  	_ =	shalt  }
0x79: {  	_ =	shalt  }
0x7a: {  	_ =	shalt  }
0x7b: {  	_ =	shalt  }
0x7c: {  	_ =	shalt  }
0x7d: {  	_ =	shalt  }
0x7e: {  	_ =	shalt  }
0x7f: {  	_ =	shalt  }
0x80: {  	_ =	shalt  }
0x81: {  	_ =	shalt  }
0x82: {  	_ =	shalt  }
0x83: {  	_ =	shalt  }
0x84: {  	_ =	shalt  }
0x85: {  	_ =	shalt  }
0x86: {  	_ =	shalt  }
0x87: {  	_ =	shalt  }
.Lfunc_end0:
.L_simem_size_0:
called_computation_lowered:
.L_overlay_start_0:
0x88: {  	s2 =	sld [smem:$0x3FD9]  }
0x89: {  	s3 =	sld [smem:$0x3FFE];
	_ =	sdelay $0x1  }
0x8a: {  	s1 =	srdreg.scid  }
0x8b: {  	s0 =	sand.u32 $0x1, s1  }
0x8c: {  	s18 =	sshll.u32 s0, $0xA;
	s2 =	sadd.s32 s3, s2  }
0x8d: {  	s2 =	sadd.s32 s2, s18  }
0x8e: {  	[smem:$0x3FC6] =	sst s2  }
0x8f: {  	_ = 	snop  }
0x90: {  	s2 =	sld [smem:$0x3FC9]  }
0x91: {  	s19 =	sld [smem:$0x3FC8]  }
0x92: {  	s4 =	sld [smem:$0x3FD0];
	(tm) =	ssettm $0x1  }
0x93: {  	s5 =	sld [smem:$0x3FFB];
	_ =	sdelay $0x3  }
0x94: {  	_ =	strace s5  }
0x95: {  	s5 =	sld [smem:$0x3FFC];
	_ =	sdelay $0x3  }
0x96: {  	_ =	strace s5  }
0x97: {  	s5 =	sld [smem:$0x3FFD];
	_ =	sdelay $0x3  }
0x98: {  	_ =	strace s5  }
0x99: {  	_ =	strace $0x8FFFFFFF  }
0x9a: {  	s20 =	sld [smem:$0x3FDB];
	_ =	sdelay $0x1  }
0x9b: {  	s6 =	simm.s32 $_scs_section_size  }
0x9c: {  	s7 =	simm.s32 $_size__tile_overlayer_lowered;
	s8 =	simm.s32 $_tile_overlayer_lowered  }
0x9d: {  	s23 =	simm.s32 $0x1BFF;
	s22 =	sshll.u32 s8, $0x1;
	s5 =	sadd.s32 s6, s20  }
0x9e: {  	s9 =	simm.s32 $0x0;
	s21 =	sshll.u32 s7, $0x1;
	s7 =	sadd.s32 s22, s5  }
0x9f: {  	[timem:s9], [sflag:s23] =	dma.local [hbm:s7], s21  }
0xa0: {  	_ =	swait.ge [sflag:s23], s21  }
0xa1: {  	s6 =	ssub.s32 $0x0, s21;
	[sflag:s23] =	ssyncset.done $0x0  }
0xa2: {  	[sflag:s23] =	ssyncadd.s32 s6;
	_ =	sdelay $0x1  }
0xa3: {  	s24 =	simm.s32 $0x1B8B  }
0xa4: {  	_ =	swait.ge [sflag:s24], $0x1  }
0xa5: {  	[sflag:s24] =	ssyncset.done $0x0  }
0xa6: {  	s25 =	simm.s32 $0x1B8E;
	[sflag:s24] =	ssyncadd.s32 $0xFFFFFFFF  }
0xa7: {  	s26 =	simm.s32 $execute0_lowered;
	[smem:$0x3FD2] =	sst s25  }
0xa8: {  	s6 =	sshll.u32 s26, $0x1;
	_ =	strace $0x80000046;
	[dreg:$0x1] =	wrdreg $0xFFFFFFFF  }
0xa9: {  	s28 =	simm.s32 $_size_execute0_lowered;
	s5 =	sadd.s32 s5, s6;
	[dreg:$0x0] =	wrdreg $0x0  }
0xaa: {  	s6 =	sshll.u32 s28, $0x1;
	[dreg:$0x2] =	wrdreg s5  }
0xab: {  	[dreg:$0x3] =	wrdreg s6  }
0xac: {  	[dreg:$0x4] =	wrdreg $0xC0  }
0xad: {  	_ =	task [dreg:s9], $0x5FFFF  }
0xae: {  	[dreg:$0x1] =	wrdreg $0xFFFFFFFF  }
0xaf: {  	[dreg:$0x0] =	wrdreg $0x60  }
0xb0: {  	[dreg:$0x2] =	wrdreg s2  }
0xb1: {  	[dreg:$0x3] =	wrdreg s19  }
0xb2: {  	[dreg:$0x4] =	wrdreg s4  }
0xb3: {  	[dreg:$0x5] =	wrdreg $0x9  }
0xb4: {  	_ =	task.clear_ibuf [dreg:s9], $0x6FFFF;
	_ =	strace $0x90000046  }
0xb5: {  	s29 =	simm.s32 $0x9;
	_ =	strace $0x80000048  }
0xb6: {  	_ =	swait.ge [sflag:s29], $0x1  }
0xb7: {  	[sflag:s29] =	ssyncadd.s32 $0xFFFFFFFF  }
0xb8: {  	_ =	strace $0x90000048  }
0xb9: {  	_ =	sfence  }
0xba: {  	s30 =	sld [smem:$0x0];
	_ =	sdelay $0x2  }
0xbb: {  	s31 =	sshll.u32 s1, $0xD;
	s1 =	sshrl.u32 s1, $0x2  }
0xbc: {  	s3 =	sand.u32 $0x4000, s31;
	s1 =	sadd.s32 s1, s30  }
0xbd: {  	s0 =	sor.u32 s3, s0;
	s1 =	sshll.u32 s1, $0x11  }
0xbe: {  	s0 =	sor.u32 s1, s0  }
0xbf: {  	s0 =	sadd.s32 $0x8F2B, s0  }
0xc0: {  	[sflag:s0] =	ssyncadd.remote.s32 $0x1  }
0xc1: {  	_ =	sfence.sel $0xFFFF  }
0xc2: {  	[dreg:$0x0] =	wrdreg $0xFFFFFFFF;
	(pc) =	sbr.abs _section_cstart, $3  }
0xc3: {  	[dreg:$0x1] =	wrdreg $0xFFFFFFFF  }
0xc4: {  	_ =	task.clear_ibuf [dreg:s9], $0x2FFFF;
	_ =	strace $0x9FFFFFFF  }
0xc5: {  	(tm) =	ssettm $0x7FFFFFFF  }
tec
execute0_lowered:
.L_overlay_start_1:
0x0: {  	(tag) =	ssettag $0x1  }
0x1: {  	s1 =	rddreg [dreg:$0x0]  }
0x2: {  	s3 =	rddreg [dreg:$0x1]  }
0x3: {  	s4 =	rddreg [dreg:$0x2];
	s5 =	srdreg.scid  }
0x4: {  	s0 =	rddreg [dreg:$0x3];
	s2 =	stileid.u32;
	s11 =	simm.s32 $0x80  }
0x5: {  	s12 =	simm.s32 $0x400;
	s13 =	simm.s32 $0x18700;
	s14 =	simm.s32 $0x4  }
0x6: {  	s15 =	simm.s32 $0x1;
	s16 =	simm.s32 $0x2;
	s17 =	simm.s32 $0x3  }
0x7: {  	s18 =	simm.s32 $0x0;
	s6 =	sand.u32 $0x1, s5;
	s5 =	simm.s32 $0x0  }
0x8: {  	s8 =	sshll.u32 s2, $0x1;
	s7 =	ssub.s32 $0x2, s6;
	[smem:$0x7FF] =	sst s5  }
0x9: {  	s6 =	sor.u32 s6, s8;
	s8 =	sadd.s32 $0x2000, s4;
	s9 =	sshrl.u32 s7, $0x1  }
0xa: {  	_ =	strace $0x80000047;
	s6 =	smul.u32 $0x1A, s6;
	s10 =	ssub.s32 s7, s9  }
0xb: {  	s7 =	sadd.s32 $0x1000, s4;
	s9 =	sadd.s32 $0x3000, s4;
	s10 =	smax.u32 s10, $0x1  }
.LBB2_1:
0xc: {  	s19 =	simm.s32 $0x0  }
.LBB2_2:
0xd: {  	s22 =	sadd.s32 s6, s19  }
0xe: {  	s20 =	sshrl.u32 s22, $0x3  }
0xf: {  	s21 =	sshll.u32 s22, $0x7;
	s23 =	smul.u32 $0xC3800, s20  }
0x10: {  	s21 =	sand.u32 $0x380, s21  }
0x11: {  	s23 =	sor.u32 s21, s23  }
0x12: {  	s23 =	sshrl.u32 s23, $0x3  }
0x13: {  	s23 =	sadd.s32 s3, s23  }
0x14: {  	[tilespmem:s5], [sflag:$0x1] =	stream.strided.gather [hbm4b:s23+s11], $0x18700, s12, s11, $0x38;
	[tilespmem:$0x1E700] =	vst v63  }
0x15: {  	p0 =	seq.s32 s19, $0x0;
	s23 =	sand.u32 $0x1F, s22  }
0x16: {  	p1 =	seq.s32 @!p0 s23, $0x0  }
0x17: {  	p1 =	por p0, p1  }
.Ltmp0:
0x18: {  	_ = 	snop;
	(pc) =	sbr.rel @p1 .LBB2_4-.Ltmp0, $1  }
0x19: {  	_ =	sdelay $0x3  }
.Ltmp1:
0x1a: {  	(pc) =	sbr.rel .LBB2_5-.Ltmp1, $4  }
0x1b: {  	_ = 	snop  }
0x1c: {  	_ =	swait.ge [sflag:s15], $0x18700  }
0x1d: {  	[sflag:s15] =	ssyncset.done $0x0  }
0x1e: {  	[sflag:s15] =	ssyncadd.s32 $0xFFFE7900  }
.LBB2_4:
0x1f: {  	s23 =	sshrl.u32 s22, $0x1  }
0x20: {  	s31 =	sshll.u32 s22, $0x6;
	s23 =	sand.u32 $0x70, s23  }
0x21: {  	s22 =	sand.u32 $0xFFFC000, s31;
	s23 =	sadd.s32 s1, s23  }
0x22: {  	s22 =	sadd.s32 s22, s23  }
0x23: {  	[tilespmem:s13], [sflag:$0x4] =	stream.strided.gather [hbm4b:s22+s11], $0x4000, s12, s11, $0x38;
	[tilespmem:$0x1E700] =	vst v63  }
0x24: {  	_ =	swait.ge [sflag:s14], $0x4000  }
.Ltmp2:
0x25: {  	[sflag:s14] =	ssyncset.done $0x0;
	(pc) =	sbr.rel @p0 .LBB2_6-.Ltmp2, $4  }
0x26: {  	[sflag:s14] =	ssyncadd.s32 $0xFFFFC000  }
0x27: {  	_ =	swait.ge [sflag:s15], $0x18700  }
0x28: {  	[sflag:s15] =	ssyncset.done $0x0  }
0x29: {  	[sflag:s15] =	ssyncadd.s32 $0xFFFE7900  }
.LBB2_5:
0x2a: {  	_ =	swait.ge [sflag:s16], $0x1000  }
0x2b: {  	[sflag:s16] =	ssyncset.done $0x0  }
0x2c: {  	[sflag:s16] =	ssyncadd.s32 $0xFFFFF000  }
.LBB2_6:
0x2d: {  	s22 =	simm.s32 $0x18800  }
0x2e: {  	v0 =	vld [tilespmem:s22+$0xF0]  }
0x2f: {  	v1 =	vld [tilespmem:s22+$0xFFFFFF10]  }
0x30: {  	v2 =	vld [tilespmem:s22+$0xFFFFFF20]  }
0x31: {  	v3 =	vld [tilespmem:s22+$0xFFFFFF30]  }
0x32: {  	v4 =	vld [tilespmem:s22+$0xFFFFFF40]  }
0x33: {  	v5 =	vld [tilespmem:s22+$0xFFFFFF50]  }
0x34: {  	v6 =	vld [tilespmem:s22+$0xFFFFFF60]  }
0x35: {  	v7 =	vld [tilespmem:s22+$0xFFFFFF70]  }
0x36: {  	v8 =	vld [tilespmem:s22+$0xFFFFFF80]  }
0x37: {  	v9 =	vld [tilespmem:s22+$0xFFFFFF90]  }
0x38: {  	v10 =	vld [tilespmem:s22+$0xFFFFFFA0]  }
0x39: {  	v11 =	vld [tilespmem:s22+$0xFFFFFFB0]  }
0x3a: {  	v12 =	vld [tilespmem:s22+$0xFFFFFFC0]  }
0x3b: {  	v13 =	vld [tilespmem:s22+$0xFFFFFFD0]  }
0x3c: {  	v14 =	vld [tilespmem:s22+$0xFFFFFFE0]  }
0x3d: {  	v15 =	vld [tilespmem:s22+$0xFFFFFFF0]  }
0x3e: {  	v16 =	vld [tilespmem:s22+$0x0]  }
0x3f: {  	v17 =	vld [tilespmem:s22+$0x10]  }
0x40: {  	v18 =	vld [tilespmem:s22+$0x20]  }
0x41: {  	v19 =	vld [tilespmem:s22+$0x30]  }
0x42: {  	v20 =	vld [tilespmem:s22+$0x40]  }
0x43: {  	v21 =	vld [tilespmem:s22+$0x50]  }
0x44: {  	v22 =	vld [tilespmem:s22+$0x60]  }
0x45: {  	v23 =	vld [tilespmem:s22+$0x70]  }
0x46: {  	v24 =	vld [tilespmem:s22+$0x80]  }
0x47: {  	v25 =	vld [tilespmem:s22+$0x90]  }
0x48: {  	v26 =	vld [tilespmem:s22+$0xA0]  }
0x49: {  	v27 =	vld [tilespmem:s22+$0xB0]  }
0x4a: {  	v28 =	vld [tilespmem:s22+$0xC0]  }
0x4b: {  	v29 =	vld [tilespmem:s22+$0xD0]  }
0x4c: {  	v30 =	vld [tilespmem:s22+$0xE0]  }
0x4d: {  	v31 =	vld [tilespmem:s22+$0xFFFFFF00]  }
0x4e: {  	v0 =	vld.idx.msk [tilespmem:v0+s5+$0x0], $0xffff  }
0x4f: {  	v1 =	vld.idx.msk [tilespmem:v1+s5+$0x0], $0xffff  }
0x50: {  	v2 =	vld.idx.msk [tilespmem:v2+s5+$0x0], $0xffff  }
0x51: {  	v3 =	vld.idx.msk [tilespmem:v3+s5+$0x0], $0xffff  }
0x52: {  	v4 =	vld.idx.msk [tilespmem:v4+s5+$0x0], $0xffff  }
0x53: {  	s22 =	simm.s32 $0x1C900;
	v5 =	vld.idx.msk [tilespmem:v5+s5+$0x0], $0xffff  }
0x54: {  	[tilespmem:s22+$0x170] =	vst v0;
	v0 =	vld.idx.msk [tilespmem:v6+s5+$0x0], $0xffff  }
0x55: {  	[tilespmem:s22+$0xFFFFFE10] =	vst v1;
	v1 =	vld.idx.msk [tilespmem:v7+s5+$0x0], $0xffff  }
0x56: {  	v6 =	vld.idx.msk [tilespmem:v31+s5+$0x0], $0xffff;
	[tilespmem:s22+$0xFFFFFE20] =	vst v2  }
0x57: {  	[tilespmem:s22+$0xFFFFFE30] =	vst v3;
	v2 =	vld.idx.msk [tilespmem:v8+s5+$0x0], $0xffff  }
0x58: {  	[tilespmem:s22+$0xFFFFFE40] =	vst v4;
	v3 =	vld.idx.msk [tilespmem:v9+s5+$0x0], $0xffff  }
0x59: {  	[tilespmem:s22+$0xFFFFFE50] =	vst v5;
	v4 =	vld.idx.msk [tilespmem:v10+s5+$0x0], $0xffff  }
0x5a: {  	v5 =	vld.idx.msk [tilespmem:v13+s5+$0x0], $0xffff;
	[tilespmem:s22+$0xFFFFFE60] =	vst v0  }
0x5b: {  	v7 =	vld.idx.msk [tilespmem:v24+s5+$0x0], $0xffff;
	[tilespmem:s22+$0xFFFFFE70] =	vst v1  }
0x5c: {  	v0 =	vld.idx.msk [tilespmem:v11+s5+$0x0], $0xffff;
	[tilespmem:s22+$0xFFFFFE00] =	vst v6  }
0x5d: {  	v1 =	vld.idx.msk [tilespmem:v12+s5+$0x0], $0xffff;
	[tilespmem:s22+$0xFFFFFF00] =	vst v2  }
0x5e: {  	v2 =	vld.idx.msk [tilespmem:v14+s5+$0x0], $0xffff;
	[tilespmem:s22+$0xFFFFFF10] =	vst v3  }
0x5f: {  	v3 =	vld.idx.msk [tilespmem:v15+s5+$0x0], $0xffff;
	[tilespmem:s22+$0xFFFFFF20] =	vst v4  }
0x60: {  	v4 =	vld.idx.msk [tilespmem:v16+s5+$0x0], $0xffff;
	[tilespmem:s22+$0xFFFFFF50] =	vst v5  }
0x61: {  	v5 =	vld.idx.msk [tilespmem:v19+s5+$0x0], $0xffff;
	[tilespmem:s22+$0x100] =	vst v7  }
0x62: {  	v6 =	vld.idx.msk [tilespmem:v23+s5+$0x0], $0xffff;
	[tilespmem:s22+$0xFFFFFF30] =	vst v0  }
0x63: {  	v0 =	vld.idx.msk [tilespmem:v17+s5+$0x0], $0xffff;
	[tilespmem:s22+$0xFFFFFF40] =	vst v1  }
0x64: {  	v1 =	vld.idx.msk [tilespmem:v18+s5+$0x0], $0xffff;
	[tilespmem:s22+$0xFFFFFF60] =	vst v2  }
0x65: {  	v2 =	vld.idx.msk [tilespmem:v20+s5+$0x0], $0xffff;
	[tilespmem:s22+$0xFFFFFF70] =	vst v3  }
0x66: {  	v3 =	vld.idx.msk [tilespmem:v21+s5+$0x0], $0xffff;
	[tilespmem:s22+$0x0] =	vst v4  }
0x67: {  	v4 =	vld.idx.msk [tilespmem:v22+s5+$0x0], $0xffff;
	[tilespmem:s22+$0x30] =	vst v5  }
0x68: {  	[tilespmem:s22+$0x70] =	vst v6;
	v5 =	vld.idx.msk [tilespmem:v30+s5+$0x0], $0xffff  }
0x69: {  	[tilespmem:s22+$0x10] =	vst v0;
	v0 =	vld.idx.msk [tilespmem:v25+s5+$0x0], $0xffff  }
0x6a: {  	[tilespmem:s22+$0x20] =	vst v1;
	v1 =	vld.idx.msk [tilespmem:v26+s5+$0x0], $0xffff  }
0x6b: {  	[tilespmem:s22+$0x40] =	vst v2;
	v2 =	vld.idx.msk [tilespmem:v27+s5+$0x0], $0xffff  }
0x6c: {  	[tilespmem:s22+$0x50] =	vst v3;
	v3 =	vld.idx.msk [tilespmem:v28+s5+$0x0], $0xffff  }
0x6d: {  	s23 =	simm.s32 $0x0;
	s24 =	simm.s32 $0x18A00;
	[tilespmem:s22+$0x60] =	vst v4;
	v4 =	vld.idx.msk [tilespmem:v29+s5+$0x0], $0xffff  }
.LBB2_7:
0x6e: {  	v6 =	vld [tilespmem:s24+$0xF0];
	s23 =	sadd.s32 $0x200, s23;
	[tilespmem:s22+$0x110] =	vst v0  }
0x6f: {  	v0 =	vld [tilespmem:s24+$0xFFFFFF10];
	p1 =	slt.u32 s23, $0xE00;
	[tilespmem:s22+$0x120] =	vst v1  }
0x70: {  	v1 =	vld [tilespmem:s24+$0xFFFFFF20];
	[tilespmem:s22+$0x130] =	vst v2  }
0x71: {  	v2 =	vld [tilespmem:s24+$0xFFFFFF30];
	[tilespmem:s22+$0x140] =	vst v3  }
0x72: {  	v3 =	vld [tilespmem:s24+$0xFFFFFF40];
	[tilespmem:s22+$0x150] =	vst v4  }
0x73: {  	v4 =	vld [tilespmem:s24+$0xFFFFFF50];
	[tilespmem:s22+$0x160] =	vst v5  }
0x74: {  	v5 =	vld [tilespmem:s24+$0xFFFFFF60]  }
0x75: {  	v7 =	vld [tilespmem:s24+$0xFFFFFF70]  }
0x76: {  	v6 =	vld.idx.msk [tilespmem:v6+s5+$0x0], $0xffff  }
0x77: {  	v8 =	vld [tilespmem:s24+$0xFFFFFF80]  }
0x78: {  	v9 =	vld [tilespmem:s24+$0xFFFFFF90]  }
0x79: {  	v10 =	vld [tilespmem:s24+$0xFFFFFFA0]  }
0x7a: {  	v11 =	vld [tilespmem:s24+$0xFFFFFFB0]  }
0x7b: {  	s22 =	sadd.s32 $0x400, s22;
	v12 =	vld [tilespmem:s24+$0xFFFFFFC0]  }
0x7c: {  	v13 =	vld [tilespmem:s24+$0xFFFFFFD0];
	[tilespmem:s22+$0x170] =	vst v6  }
0x7d: {  	v6 =	vld [tilespmem:s24+$0xFFFFFFE0]  }
0x7e: {  	v14 =	vld [tilespmem:s24+$0xFFFFFFF0]  }
0x7f: {  	v15 =	vld [tilespmem:s24+$0x0]  }
0x80: {  	v16 =	vld [tilespmem:s24+$0x10]  }
0x81: {  	v17 =	vld [tilespmem:s24+$0x20]  }
0x82: {  	v18 =	vld [tilespmem:s24+$0x30]  }
0x83: {  	v19 =	vld [tilespmem:s24+$0x40]  }
0x84: {  	v20 =	vld [tilespmem:s24+$0x50]  }
0x85: {  	v21 =	vld [tilespmem:s24+$0x60]  }
0x86: {  	v22 =	vld [tilespmem:s24+$0x70]  }
0x87: {  	v23 =	vld [tilespmem:s24+$0x80]  }
0x88: {  	v24 =	vld [tilespmem:s24+$0x90]  }
0x89: {  	v25 =	vld [tilespmem:s24+$0xA0]  }
0x8a: {  	v26 =	vld [tilespmem:s24+$0xB0]  }
0x8b: {  	v27 =	vld [tilespmem:s24+$0xC0]  }
0x8c: {  	v28 =	vld [tilespmem:s24+$0xD0]  }
0x8d: {  	v29 =	vld [tilespmem:s24+$0xE0]  }
0x8e: {  	v30 =	vld [tilespmem:s24+$0xFFFFFF00]  }
0x8f: {  	v0 =	vld.idx.msk [tilespmem:v0+s5+$0x0], $0xffff  }
0x90: {  	v1 =	vld.idx.msk [tilespmem:v1+s5+$0x0], $0xffff  }
0x91: {  	v2 =	vld.idx.msk [tilespmem:v2+s5+$0x0], $0xffff  }
0x92: {  	v3 =	vld.idx.msk [tilespmem:v3+s5+$0x0], $0xffff  }
0x93: {  	v4 =	vld.idx.msk [tilespmem:v4+s5+$0x0], $0xffff  }
0x94: {  	v5 =	vld.idx.msk [tilespmem:v5+s5+$0x0], $0xffff  }
0x95: {  	[tilespmem:s22+$0xFFFFFE10] =	vst v0;
	v0 =	vld.idx.msk [tilespmem:v7+s5+$0x0], $0xffff  }
0x96: {  	v7 =	vld.idx.msk [tilespmem:v30+s5+$0x0], $0xffff;
	[tilespmem:s22+$0xFFFFFE20] =	vst v1  }
0x97: {  	[tilespmem:s22+$0xFFFFFE30] =	vst v2;
	v1 =	vld.idx.msk [tilespmem:v8+s5+$0x0], $0xffff  }
0x98: {  	[tilespmem:s22+$0xFFFFFE40] =	vst v3;
	v2 =	vld.idx.msk [tilespmem:v9+s5+$0x0], $0xffff  }
0x99: {  	[tilespmem:s22+$0xFFFFFE50] =	vst v4;
	v3 =	vld.idx.msk [tilespmem:v10+s5+$0x0], $0xffff  }
0x9a: {  	[tilespmem:s22+$0xFFFFFE60] =	vst v5;
	v4 =	vld.idx.msk [tilespmem:v11+s5+$0x0], $0xffff  }
0x9b: {  	[tilespmem:s22+$0xFFFFFE70] =	vst v0;
	v0 =	vld.idx.msk [tilespmem:v12+s5+$0x0], $0xffff  }
0x9c: {  	[tilespmem:s22+$0xFFFFFE00] =	vst v7;
	v5 =	vld.idx.msk [tilespmem:v13+s5+$0x0], $0xffff  }
0x9d: {  	[tilespmem:s22+$0xFFFFFF00] =	vst v1;
	v1 =	vld.idx.msk [tilespmem:v6+s5+$0x0], $0xffff  }
0x9e: {  	[tilespmem:s22+$0xFFFFFF10] =	vst v2;
	v2 =	vld.idx.msk [tilespmem:v14+s5+$0x0], $0xffff  }
0x9f: {  	[tilespmem:s22+$0xFFFFFF20] =	vst v3;
	v3 =	vld.idx.msk [tilespmem:v15+s5+$0x0], $0xffff  }
0xa0: {  	[tilespmem:s22+$0xFFFFFF30] =	vst v4;
	v4 =	vld.idx.msk [tilespmem:v16+s5+$0x0], $0xffff  }
0xa1: {  	[tilespmem:s22+$0xFFFFFF40] =	vst v0;
	v0 =	vld.idx.msk [tilespmem:v17+s5+$0x0], $0xffff  }
0xa2: {  	[tilespmem:s22+$0xFFFFFF50] =	vst v5;
	v5 =	vld.idx.msk [tilespmem:v18+s5+$0x0], $0xffff  }
0xa3: {  	[tilespmem:s22+$0xFFFFFF60] =	vst v1;
	v1 =	vld.idx.msk [tilespmem:v19+s5+$0x0], $0xffff  }
0xa4: {  	[tilespmem:s22+$0xFFFFFF70] =	vst v2;
	v2 =	vld.idx.msk [tilespmem:v20+s5+$0x0], $0xffff  }
0xa5: {  	[tilespmem:s22+$0x0] =	vst v3;
	v3 =	vld.idx.msk [tilespmem:v21+s5+$0x0], $0xffff  }
0xa6: {  	[tilespmem:s22+$0x10] =	vst v4;
	v4 =	vld.idx.msk [tilespmem:v22+s5+$0x0], $0xffff  }
0xa7: {  	[tilespmem:s22+$0x20] =	vst v0;
	v6 =	vld.idx.msk [tilespmem:v23+s5+$0x0], $0xffff  }
0xa8: {  	[tilespmem:s22+$0x30] =	vst v5;
	v0 =	vld.idx.msk [tilespmem:v24+s5+$0x0], $0xffff  }
.Ltmp3:
0xa9: {  	[tilespmem:s22+$0x40] =	vst v1;
	v1 =	vld.idx.msk [tilespmem:v25+s5+$0x0], $0xffff;
	(pc) =	sbr.rel @p1 .LBB2_7-.Ltmp3, $4  }
0xaa: {  	[tilespmem:s22+$0x50] =	vst v2;
	v2 =	vld.idx.msk [tilespmem:v26+s5+$0x0], $0xffff  }
0xab: {  	[tilespmem:s22+$0x60] =	vst v3;
	v3 =	vld.idx.msk [tilespmem:v27+s5+$0x0], $0xffff  }
0xac: {  	[tilespmem:s22+$0x70] =	vst v4;
	v4 =	vld.idx.msk [tilespmem:v28+s5+$0x0], $0xffff  }
0xad: {  	s24 =	sadd.s32 $0x200, s24;
	[tilespmem:s22+$0x100] =	vst v6;
	v5 =	vld.idx.msk [tilespmem:v29+s5+$0x0], $0xffff  }
0xae: {  	[tilespmem:s22+$0x110] =	vst v0  }
0xaf: {  	[tilespmem:s22+$0x120] =	vst v1;
	s20 =	sshll.u32 s20, $0x11  }
0xb0: {  	[tilespmem:s22+$0x130] =	vst v2;
	s20 =	sor.u32 s21, s20  }
0xb1: {  	[tilespmem:s22+$0x140] =	vst v3;
	s20 =	sshrl.u32 s20, $0x3  }
0xb2: {  	s23 =	simm.s32 $0x1C700;
	[tilespmem:s22+$0x150] =	vst v4;
	s21 =	sadd.s32 s4, s20  }
0xb3: {  	s24 =	simm.s32 $0x1C800;
	[tilespmem:s22+$0x160] =	vst v5;
	s22 =	simm.s32 $0x80;
	s25 =	sadd.s32 $0x0, s21  }
.LBB2_9:
0xb4: {  	[hbm4b:s25+s5] =	stream.linear.scatter [tilespmem:s23], [sflag:$0x2], $0x80, $0x38;
	[tilespmem:$0x1E700] =	vst v63  }
0xb5: {  	s25 =	smov.u32 s22;
	s23 =	smov.u32 s24;
	p1 =	sne.s32 s22, $0xF80  }
.Ltmp4:
0xb6: {  	s22 =	sadd.s32 $0x80, s22;
	(pc) =	sbr.rel @p1 .LBB2_9-.Ltmp4, $2  }
0xb7: {  	_ =	sdelay $0x2  }
0xb8: {  	s24 =	sadd.s32 $0x100, s24;
	s25 =	sadd.s32 s25, s21  }
0xb9: {  	[hbm4b:s25+s5] =	stream.linear.scatter [tilespmem:s23], [sflag:$0x2], $0x80, $0x38;
	[tilespmem:$0x1E700] =	vst v63  }
0xba: {  	s21 =	simm.s32 @!p0 $0x3  }
0xbb: {  	_ =	swait.ge @!p0 [sflag:s21], $0x1000  }
0xbc: {  	[sflag:s21] =	ssyncset.done @!p0 $0x0  }
0xbd: {  	s31 =	simm.s32 $0x198F0;
	[sflag:s21] =	ssyncadd.s32 @!p0 $0xFFFFF000  }
0xbe: {  	v0 =	vld [tilespmem:s31+$0x0]  }
0xbf: {  	v1 =	vld [tilespmem:s31+$0xFFFFFE20]  }
0xc0: {  	v2 =	vld [tilespmem:s31+$0xFFFFFE30]  }
0xc1: {  	v3 =	vld [tilespmem:s31+$0xFFFFFE40]  }
0xc2: {  	v4 =	vld [tilespmem:s31+$0xFFFFFE50]  }
0xc3: {  	v5 =	vld [tilespmem:s31+$0xFFFFFE60]  }
0xc4: {  	v6 =	vld [tilespmem:s31+$0xFFFFFE70]  }
0xc5: {  	v7 =	vld [tilespmem:s31+$0xFFFFFE80]  }
0xc6: {  	v8 =	vld [tilespmem:s31+$0xFFFFFE90]  }
0xc7: {  	v9 =	vld [tilespmem:s31+$0xFFFFFEA0]  }
0xc8: {  	v10 =	vld [tilespmem:s31+$0xFFFFFEB0]  }
0xc9: {  	v11 =	vld [tilespmem:s31+$0xFFFFFEC0]  }
0xca: {  	v12 =	vld [tilespmem:s31+$0xFFFFFED0]  }
0xcb: {  	v13 =	vld [tilespmem:s31+$0xFFFFFEE0]  }
0xcc: {  	v14 =	vld [tilespmem:s31+$0xFFFFFEF0]  }
0xcd: {  	v15 =	vld [tilespmem:s31+$0xFFFFFF00]  }
0xce: {  	v16 =	vld [tilespmem:s31+$0xFFFFFF10]  }
0xcf: {  	v17 =	vld [tilespmem:s31+$0xFFFFFF20]  }
0xd0: {  	v18 =	vld [tilespmem:s31+$0xFFFFFF30]  }
0xd1: {  	v19 =	vld [tilespmem:s31+$0xFFFFFF40]  }
0xd2: {  	v20 =	vld [tilespmem:s31+$0xFFFFFF50]  }
0xd3: {  	v21 =	vld [tilespmem:s31+$0xFFFFFF60]  }
0xd4: {  	v22 =	vld [tilespmem:s31+$0xFFFFFF70]  }
0xd5: {  	v23 =	vld [tilespmem:s31+$0xFFFFFF80]  }
0xd6: {  	v24 =	vld [tilespmem:s31+$0xFFFFFF90]  }
0xd7: {  	v25 =	vld [tilespmem:s31+$0xFFFFFFA0]  }
0xd8: {  	v26 =	vld [tilespmem:s31+$0xFFFFFFB0]  }
0xd9: {  	v27 =	vld [tilespmem:s31+$0xFFFFFFC0]  }
0xda: {  	v28 =	vld [tilespmem:s31+$0xFFFFFFD0]  }
0xdb: {  	v29 =	vld [tilespmem:s31+$0xFFFFFFE0]  }
0xdc: {  	v30 =	vld [tilespmem:s31+$0xFFFFFFF0]  }
0xdd: {  	v31 =	vld [tilespmem:s31+$0xFFFFFE10]  }
0xde: {  	v0 =	vld.idx.msk [tilespmem:v0+s5+$0x0], $0xffff  }
0xdf: {  	v1 =	vld.idx.msk [tilespmem:v1+s5+$0x0], $0xffff  }
0xe0: {  	v2 =	vld.idx.msk [tilespmem:v2+s5+$0x0], $0xffff  }
0xe1: {  	v3 =	vld.idx.msk [tilespmem:v3+s5+$0x0], $0xffff  }
0xe2: {  	v4 =	vld.idx.msk [tilespmem:v4+s5+$0x0], $0xffff  }
0xe3: {  	s21 =	simm.s32 $0x1C980;
	v5 =	vld.idx.msk [tilespmem:v5+s5+$0x0], $0xffff  }
0xe4: {  	[tilespmem:s21+$0x170] =	vst v0;
	v0 =	vld.idx.msk [tilespmem:v6+s5+$0x0], $0xffff  }
0xe5: {  	[tilespmem:s21+$0xFFFFFE10] =	vst v1;
	v1 =	vld.idx.msk [tilespmem:v7+s5+$0x0], $0xffff  }
0xe6: {  	v6 =	vld.idx.msk [tilespmem:v31+s5+$0x0], $0xffff;
	[tilespmem:s21+$0xFFFFFE20] =	vst v2  }
0xe7: {  	[tilespmem:s21+$0xFFFFFE30] =	vst v3;
	v2 =	vld.idx.msk [tilespmem:v8+s5+$0x0], $0xffff  }
0xe8: {  	[tilespmem:s21+$0xFFFFFE40] =	vst v4;
	v3 =	vld.idx.msk [tilespmem:v9+s5+$0x0], $0xffff  }
0xe9: {  	[tilespmem:s21+$0xFFFFFE50] =	vst v5;
	v4 =	vld.idx.msk [tilespmem:v10+s5+$0x0], $0xffff  }
0xea: {  	v5 =	vld.idx.msk [tilespmem:v13+s5+$0x0], $0xffff;
	[tilespmem:s21+$0xFFFFFE60] =	vst v0  }
0xeb: {  	v7 =	vld.idx.msk [tilespmem:v24+s5+$0x0], $0xffff;
	[tilespmem:s21+$0xFFFFFE70] =	vst v1  }
0xec: {  	v0 =	vld.idx.msk [tilespmem:v11+s5+$0x0], $0xffff;
	[tilespmem:s21+$0xFFFFFE00] =	vst v6  }
0xed: {  	v1 =	vld.idx.msk [tilespmem:v12+s5+$0x0], $0xffff;
	[tilespmem:s21+$0xFFFFFF00] =	vst v2  }
0xee: {  	v2 =	vld.idx.msk [tilespmem:v14+s5+$0x0], $0xffff;
	[tilespmem:s21+$0xFFFFFF10] =	vst v3  }
0xef: {  	v3 =	vld.idx.msk [tilespmem:v15+s5+$0x0], $0xffff;
	[tilespmem:s21+$0xFFFFFF20] =	vst v4  }
0xf0: {  	v4 =	vld.idx.msk [tilespmem:v16+s5+$0x0], $0xffff;
	[tilespmem:s21+$0xFFFFFF50] =	vst v5  }
0xf1: {  	v5 =	vld.idx.msk [tilespmem:v19+s5+$0x0], $0xffff;
	[tilespmem:s21+$0x100] =	vst v7  }
0xf2: {  	v6 =	vld.idx.msk [tilespmem:v23+s5+$0x0], $0xffff;
	[tilespmem:s21+$0xFFFFFF30] =	vst v0  }
0xf3: {  	v0 =	vld.idx.msk [tilespmem:v17+s5+$0x0], $0xffff;
	[tilespmem:s21+$0xFFFFFF40] =	vst v1  }
0xf4: {  	v1 =	vld.idx.msk [tilespmem:v18+s5+$0x0], $0xffff;
	[tilespmem:s21+$0xFFFFFF60] =	vst v2  }
0xf5: {  	v2 =	vld.idx.msk [tilespmem:v20+s5+$0x0], $0xffff;
	[tilespmem:s21+$0xFFFFFF70] =	vst v3  }
0xf6: {  	v3 =	vld.idx.msk [tilespmem:v21+s5+$0x0], $0xffff;
	[tilespmem:s21+$0x0] =	vst v4  }
0xf7: {  	v4 =	vld.idx.msk [tilespmem:v22+s5+$0x0], $0xffff;
	[tilespmem:s21+$0x30] =	vst v5  }
0xf8: {  	[tilespmem:s21+$0x70] =	vst v6;
	v5 =	vld.idx.msk [tilespmem:v30+s5+$0x0], $0xffff  }
0xf9: {  	[tilespmem:s21+$0x10] =	vst v0;
	v0 =	vld.idx.msk [tilespmem:v25+s5+$0x0], $0xffff  }
0xfa: {  	[tilespmem:s21+$0x20] =	vst v1;
	v1 =	vld.idx.msk [tilespmem:v26+s5+$0x0], $0xffff  }
0xfb: {  	[tilespmem:s21+$0x40] =	vst v2;
	v2 =	vld.idx.msk [tilespmem:v27+s5+$0x0], $0xffff  }
0xfc: {  	[tilespmem:s21+$0x50] =	vst v3;
	v3 =	vld.idx.msk [tilespmem:v28+s5+$0x0], $0xffff  }
0xfd: {  	s22 =	simm.s32 $0x0;
	s23 =	simm.s32 $0x19AF0;
	[tilespmem:s21+$0x60] =	vst v4;
	v4 =	vld.idx.msk [tilespmem:v29+s5+$0x0], $0xffff  }
.LBB2_11:
0xfe: {  	v6 =	vld [tilespmem:s23+$0x0];
	s22 =	sadd.s32 $0x200, s22;
	[tilespmem:s21+$0x110] =	vst v0  }
0xff: {  	v0 =	vld [tilespmem:s23+$0xFFFFFE20];
	p0 =	slt.u32 s22, $0xE00;
	[tilespmem:s21+$0x120] =	vst v1  }
0x100: {  	v1 =	vld [tilespmem:s23+$0xFFFFFE30];
	[tilespmem:s21+$0x130] =	vst v2  }
0x101: {  	v2 =	vld [tilespmem:s23+$0xFFFFFE40];
	[tilespmem:s21+$0x140] =	vst v3  }
0x102: {  	v3 =	vld [tilespmem:s23+$0xFFFFFE50];
	[tilespmem:s21+$0x150] =	vst v4  }
0x103: {  	v4 =	vld [tilespmem:s23+$0xFFFFFE60];
	[tilespmem:s21+$0x160] =	vst v5  }
0x104: {  	v5 =	vld [tilespmem:s23+$0xFFFFFE70]  }
0x105: {  	v7 =	vld [tilespmem:s23+$0xFFFFFE80]  }
0x106: {  	v6 =	vld.idx.msk [tilespmem:v6+s5+$0x0], $0xffff  }
0x107: {  	v8 =	vld [tilespmem:s23+$0xFFFFFE90]  }
0x108: {  	v9 =	vld [tilespmem:s23+$0xFFFFFEA0]  }
0x109: {  	v10 =	vld [tilespmem:s23+$0xFFFFFEB0]  }
0x10a: {  	v11 =	vld [tilespmem:s23+$0xFFFFFEC0]  }
0x10b: {  	s21 =	sadd.s32 $0x400, s21;
	v12 =	vld [tilespmem:s23+$0xFFFFFED0]  }
0x10c: {  	v13 =	vld [tilespmem:s23+$0xFFFFFEE0];
	[tilespmem:s21+$0x170] =	vst v6  }
0x10d: {  	v6 =	vld [tilespmem:s23+$0xFFFFFEF0]  }
0x10e: {  	v14 =	vld [tilespmem:s23+$0xFFFFFF00]  }
0x10f: {  	v15 =	vld [tilespmem:s23+$0xFFFFFF10]  }
0x110: {  	v16 =	vld [tilespmem:s23+$0xFFFFFF20]  }
0x111: {  	v17 =	vld [tilespmem:s23+$0xFFFFFF30]  }
0x112: {  	v18 =	vld [tilespmem:s23+$0xFFFFFF40]  }
0x113: {  	v19 =	vld [tilespmem:s23+$0xFFFFFF50]  }
0x114: {  	v20 =	vld [tilespmem:s23+$0xFFFFFF60]  }
0x115: {  	v21 =	vld [tilespmem:s23+$0xFFFFFF70]  }
0x116: {  	v22 =	vld [tilespmem:s23+$0xFFFFFF80]  }
0x117: {  	v23 =	vld [tilespmem:s23+$0xFFFFFF90]  }
0x118: {  	v24 =	vld [tilespmem:s23+$0xFFFFFFA0]  }
0x119: {  	v25 =	vld [tilespmem:s23+$0xFFFFFFB0]  }
0x11a: {  	v26 =	vld [tilespmem:s23+$0xFFFFFFC0]  }
0x11b: {  	v27 =	vld [tilespmem:s23+$0xFFFFFFD0]  }
0x11c: {  	v28 =	vld [tilespmem:s23+$0xFFFFFFE0]  }
0x11d: {  	v29 =	vld [tilespmem:s23+$0xFFFFFFF0]  }
0x11e: {  	v30 =	vld [tilespmem:s23+$0xFFFFFE10]  }
0x11f: {  	v0 =	vld.idx.msk [tilespmem:v0+s5+$0x0], $0xffff  }
0x120: {  	v1 =	vld.idx.msk [tilespmem:v1+s5+$0x0], $0xffff  }
0x121: {  	v2 =	vld.idx.msk [tilespmem:v2+s5+$0x0], $0xffff  }
0x122: {  	v3 =	vld.idx.msk [tilespmem:v3+s5+$0x0], $0xffff  }
0x123: {  	v4 =	vld.idx.msk [tilespmem:v4+s5+$0x0], $0xffff  }
0x124: {  	v5 =	vld.idx.msk [tilespmem:v5+s5+$0x0], $0xffff  }
0x125: {  	[tilespmem:s21+$0xFFFFFE10] =	vst v0;
	v0 =	vld.idx.msk [tilespmem:v7+s5+$0x0], $0xffff  }
0x126: {  	v7 =	vld.idx.msk [tilespmem:v30+s5+$0x0], $0xffff;
	[tilespmem:s21+$0xFFFFFE20] =	vst v1  }
0x127: {  	[tilespmem:s21+$0xFFFFFE30] =	vst v2;
	v1 =	vld.idx.msk [tilespmem:v8+s5+$0x0], $0xffff  }
0x128: {  	[tilespmem:s21+$0xFFFFFE40] =	vst v3;
	v2 =	vld.idx.msk [tilespmem:v9+s5+$0x0], $0xffff  }
0x129: {  	[tilespmem:s21+$0xFFFFFE50] =	vst v4;
	v3 =	vld.idx.msk [tilespmem:v10+s5+$0x0], $0xffff  }
0x12a: {  	[tilespmem:s21+$0xFFFFFE60] =	vst v5;
	v4 =	vld.idx.msk [tilespmem:v11+s5+$0x0], $0xffff  }
0x12b: {  	[tilespmem:s21+$0xFFFFFE70] =	vst v0;
	v0 =	vld.idx.msk [tilespmem:v12+s5+$0x0], $0xffff  }
0x12c: {  	[tilespmem:s21+$0xFFFFFE00] =	vst v7;
	v5 =	vld.idx.msk [tilespmem:v13+s5+$0x0], $0xffff  }
0x12d: {  	[tilespmem:s21+$0xFFFFFF00] =	vst v1;
	v1 =	vld.idx.msk [tilespmem:v6+s5+$0x0], $0xffff  }
0x12e: {  	[tilespmem:s21+$0xFFFFFF10] =	vst v2;
	v2 =	vld.idx.msk [tilespmem:v14+s5+$0x0], $0xffff  }
0x12f: {  	[tilespmem:s21+$0xFFFFFF20] =	vst v3;
	v3 =	vld.idx.msk [tilespmem:v15+s5+$0x0], $0xffff  }
0x130: {  	[tilespmem:s21+$0xFFFFFF30] =	vst v4;
	v4 =	vld.idx.msk [tilespmem:v16+s5+$0x0], $0xffff  }
0x131: {  	[tilespmem:s21+$0xFFFFFF40] =	vst v0;
	v0 =	vld.idx.msk [tilespmem:v17+s5+$0x0], $0xffff  }
0x132: {  	[tilespmem:s21+$0xFFFFFF50] =	vst v5;
	v5 =	vld.idx.msk [tilespmem:v18+s5+$0x0], $0xffff  }
0x133: {  	[tilespmem:s21+$0xFFFFFF60] =	vst v1;
	v1 =	vld.idx.msk [tilespmem:v19+s5+$0x0], $0xffff  }
0x134: {  	[tilespmem:s21+$0xFFFFFF70] =	vst v2;
	v2 =	vld.idx.msk [tilespmem:v20+s5+$0x0], $0xffff  }
0x135: {  	[tilespmem:s21+$0x0] =	vst v3;
	v3 =	vld.idx.msk [tilespmem:v21+s5+$0x0], $0xffff  }
0x136: {  	[tilespmem:s21+$0x10] =	vst v4;
	v4 =	vld.idx.msk [tilespmem:v22+s5+$0x0], $0xffff  }
0x137: {  	[tilespmem:s21+$0x20] =	vst v0;
	v6 =	vld.idx.msk [tilespmem:v23+s5+$0x0], $0xffff  }
0x138: {  	[tilespmem:s21+$0x30] =	vst v5;
	v0 =	vld.idx.msk [tilespmem:v24+s5+$0x0], $0xffff  }
.Ltmp5:
0x139: {  	[tilespmem:s21+$0x40] =	vst v1;
	v1 =	vld.idx.msk [tilespmem:v25+s5+$0x0], $0xffff;
	(pc) =	sbr.rel @p0 .LBB2_11-.Ltmp5, $4  }
0x13a: {  	[tilespmem:s21+$0x50] =	vst v2;
	v2 =	vld.idx.msk [tilespmem:v26+s5+$0x0], $0xffff  }
0x13b: {  	[tilespmem:s21+$0x60] =	vst v3;
	v3 =	vld.idx.msk [tilespmem:v27+s5+$0x0], $0xffff  }
0x13c: {  	[tilespmem:s21+$0x70] =	vst v4;
	v4 =	vld.idx.msk [tilespmem:v28+s5+$0x0], $0xffff  }
0x13d: {  	s23 =	sadd.s32 $0x200, s23;
	[tilespmem:s21+$0x100] =	vst v6;
	v5 =	vld.idx.msk [tilespmem:v29+s5+$0x0], $0xffff  }
0x13e: {  	[tilespmem:s21+$0x110] =	vst v0  }
0x13f: {  	[tilespmem:s21+$0x120] =	vst v1  }
0x140: {  	[tilespmem:s21+$0x130] =	vst v2  }
0x141: {  	[tilespmem:s21+$0x140] =	vst v3  }
0x142: {  	s22 =	sadd.s32 s20, s7;
	s23 =	simm.s32 $0x1C780;
	[tilespmem:s21+$0x150] =	vst v4  }
0x143: {  	s24 =	simm.s32 $0x1C880;
	s25 =	sadd.s32 $0x0, s22;
	[tilespmem:s21+$0x160] =	vst v5;
	s21 =	simm.s32 $0x80  }
.LBB2_13:
0x144: {  	[hbm4b:s25+s5] =	stream.linear.scatter [tilespmem:s23], [sflag:$0x3], $0x80, $0x38;
	[tilespmem:$0x1E700] =	vst v63  }
0x145: {  	s25 =	smov.u32 s21;
	s23 =	smov.u32 s24;
	p0 =	sne.s32 s21, $0xF80  }
.Ltmp6:
0x146: {  	s21 =	sadd.s32 $0x80, s21;
	(pc) =	sbr.rel @p0 .LBB2_13-.Ltmp6, $2  }
0x147: {  	_ =	sdelay $0x2  }
0x148: {  	s24 =	sadd.s32 $0x100, s24;
	s25 =	sadd.s32 s25, s22  }
0x149: {  	[hbm4b:s25+s5] =	stream.linear.scatter [tilespmem:s23], [sflag:$0x3], $0x80, $0x38;
	[tilespmem:$0x1E700] =	vst v63  }
0x14a: {  	_ =	swait.ge [sflag:s16], $0x1000  }
0x14b: {  	[sflag:s16] =	ssyncset.done $0x0  }
0x14c: {  	s21 =	simm.s32 $0x1A8F0;
	[sflag:s16] =	ssyncadd.s32 $0xFFFFF000  }
0x14d: {  	v0 =	vld [tilespmem:s21+$0x0]  }
0x14e: {  	v1 =	vld [tilespmem:s21+$0xFFFFFE20]  }
0x14f: {  	v2 =	vld [tilespmem:s21+$0xFFFFFE30]  }
0x150: {  	v3 =	vld [tilespmem:s21+$0xFFFFFE40]  }
0x151: {  	v4 =	vld [tilespmem:s21+$0xFFFFFE50]  }
0x152: {  	v5 =	vld [tilespmem:s21+$0xFFFFFE60]  }
0x153: {  	v6 =	vld [tilespmem:s21+$0xFFFFFE70]  }
0x154: {  	v7 =	vld [tilespmem:s21+$0xFFFFFE80]  }
0x155: {  	v8 =	vld [tilespmem:s21+$0xFFFFFE90]  }
0x156: {  	v9 =	vld [tilespmem:s21+$0xFFFFFEA0]  }
0x157: {  	v10 =	vld [tilespmem:s21+$0xFFFFFEB0]  }
0x158: {  	v11 =	vld [tilespmem:s21+$0xFFFFFEC0]  }
0x159: {  	v12 =	vld [tilespmem:s21+$0xFFFFFED0]  }
0x15a: {  	v13 =	vld [tilespmem:s21+$0xFFFFFEE0]  }
0x15b: {  	v14 =	vld [tilespmem:s21+$0xFFFFFEF0]  }
0x15c: {  	v15 =	vld [tilespmem:s21+$0xFFFFFF00]  }
0x15d: {  	v16 =	vld [tilespmem:s21+$0xFFFFFF10]  }
0x15e: {  	v17 =	vld [tilespmem:s21+$0xFFFFFF20]  }
0x15f: {  	v18 =	vld [tilespmem:s21+$0xFFFFFF30]  }
0x160: {  	v19 =	vld [tilespmem:s21+$0xFFFFFF40]  }
0x161: {  	v20 =	vld [tilespmem:s21+$0xFFFFFF50]  }
0x162: {  	v21 =	vld [tilespmem:s21+$0xFFFFFF60]  }
0x163: {  	v22 =	vld [tilespmem:s21+$0xFFFFFF70]  }
0x164: {  	v23 =	vld [tilespmem:s21+$0xFFFFFF80]  }
0x165: {  	v24 =	vld [tilespmem:s21+$0xFFFFFF90]  }
0x166: {  	v25 =	vld [tilespmem:s21+$0xFFFFFFA0]  }
0x167: {  	v26 =	vld [tilespmem:s21+$0xFFFFFFB0]  }
0x168: {  	v27 =	vld [tilespmem:s21+$0xFFFFFFC0]  }
0x169: {  	v28 =	vld [tilespmem:s21+$0xFFFFFFD0]  }
0x16a: {  	v29 =	vld [tilespmem:s21+$0xFFFFFFE0]  }
0x16b: {  	v30 =	vld [tilespmem:s21+$0xFFFFFFF0]  }
0x16c: {  	v31 =	vld [tilespmem:s21+$0xFFFFFE10]  }
0x16d: {  	v0 =	vld.idx.msk [tilespmem:v0+s5+$0x0], $0xffff  }
0x16e: {  	v1 =	vld.idx.msk [tilespmem:v1+s5+$0x0], $0xffff  }
0x16f: {  	v2 =	vld.idx.msk [tilespmem:v2+s5+$0x0], $0xffff  }
0x170: {  	v3 =	vld.idx.msk [tilespmem:v3+s5+$0x0], $0xffff  }
0x171: {  	v4 =	vld.idx.msk [tilespmem:v4+s5+$0x0], $0xffff  }
0x172: {  	s21 =	simm.s32 $0x1C900;
	v5 =	vld.idx.msk [tilespmem:v5+s5+$0x0], $0xffff  }
0x173: {  	[tilespmem:s21+$0x170] =	vst v0;
	v0 =	vld.idx.msk [tilespmem:v6+s5+$0x0], $0xffff  }
0x174: {  	[tilespmem:s21+$0xFFFFFE10] =	vst v1;
	v1 =	vld.idx.msk [tilespmem:v7+s5+$0x0], $0xffff  }
0x175: {  	v6 =	vld.idx.msk [tilespmem:v31+s5+$0x0], $0xffff;
	[tilespmem:s21+$0xFFFFFE20] =	vst v2  }
0x176: {  	[tilespmem:s21+$0xFFFFFE30] =	vst v3;
	v2 =	vld.idx.msk [tilespmem:v8+s5+$0x0], $0xffff  }
0x177: {  	[tilespmem:s21+$0xFFFFFE40] =	vst v4;
	v3 =	vld.idx.msk [tilespmem:v9+s5+$0x0], $0xffff  }
0x178: {  	[tilespmem:s21+$0xFFFFFE50] =	vst v5;
	v4 =	vld.idx.msk [tilespmem:v10+s5+$0x0], $0xffff  }
0x179: {  	v5 =	vld.idx.msk [tilespmem:v13+s5+$0x0], $0xffff;
	[tilespmem:s21+$0xFFFFFE60] =	vst v0  }
0x17a: {  	v7 =	vld.idx.msk [tilespmem:v24+s5+$0x0], $0xffff;
	[tilespmem:s21+$0xFFFFFE70] =	vst v1  }
0x17b: {  	v0 =	vld.idx.msk [tilespmem:v11+s5+$0x0], $0xffff;
	[tilespmem:s21+$0xFFFFFE00] =	vst v6  }
0x17c: {  	v1 =	vld.idx.msk [tilespmem:v12+s5+$0x0], $0xffff;
	[tilespmem:s21+$0xFFFFFF00] =	vst v2  }
0x17d: {  	v2 =	vld.idx.msk [tilespmem:v14+s5+$0x0], $0xffff;
	[tilespmem:s21+$0xFFFFFF10] =	vst v3  }
0x17e: {  	v3 =	vld.idx.msk [tilespmem:v15+s5+$0x0], $0xffff;
	[tilespmem:s21+$0xFFFFFF20] =	vst v4  }
0x17f: {  	v4 =	vld.idx.msk [tilespmem:v16+s5+$0x0], $0xffff;
	[tilespmem:s21+$0xFFFFFF50] =	vst v5  }
0x180: {  	v5 =	vld.idx.msk [tilespmem:v19+s5+$0x0], $0xffff;
	[tilespmem:s21+$0x100] =	vst v7  }
0x181: {  	v6 =	vld.idx.msk [tilespmem:v23+s5+$0x0], $0xffff;
	[tilespmem:s21+$0xFFFFFF30] =	vst v0  }
0x182: {  	v0 =	vld.idx.msk [tilespmem:v17+s5+$0x0], $0xffff;
	[tilespmem:s21+$0xFFFFFF40] =	vst v1  }
0x183: {  	v1 =	vld.idx.msk [tilespmem:v18+s5+$0x0], $0xffff;
	[tilespmem:s21+$0xFFFFFF60] =	vst v2  }
0x184: {  	v2 =	vld.idx.msk [tilespmem:v20+s5+$0x0], $0xffff;
	[tilespmem:s21+$0xFFFFFF70] =	vst v3  }
0x185: {  	v3 =	vld.idx.msk [tilespmem:v21+s5+$0x0], $0xffff;
	[tilespmem:s21+$0x0] =	vst v4  }
0x186: {  	v4 =	vld.idx.msk [tilespmem:v22+s5+$0x0], $0xffff;
	[tilespmem:s21+$0x30] =	vst v5  }
0x187: {  	[tilespmem:s21+$0x70] =	vst v6;
	v5 =	vld.idx.msk [tilespmem:v30+s5+$0x0], $0xffff  }
0x188: {  	[tilespmem:s21+$0x10] =	vst v0;
	v0 =	vld.idx.msk [tilespmem:v25+s5+$0x0], $0xffff  }
0x189: {  	[tilespmem:s21+$0x20] =	vst v1;
	v1 =	vld.idx.msk [tilespmem:v26+s5+$0x0], $0xffff  }
0x18a: {  	[tilespmem:s21+$0x40] =	vst v2;
	v2 =	vld.idx.msk [tilespmem:v27+s5+$0x0], $0xffff  }
0x18b: {  	[tilespmem:s21+$0x50] =	vst v3;
	v3 =	vld.idx.msk [tilespmem:v28+s5+$0x0], $0xffff  }
0x18c: {  	s22 =	simm.s32 $0x0;
	s23 =	simm.s32 $0x1AAF0;
	[tilespmem:s21+$0x60] =	vst v4;
	v4 =	vld.idx.msk [tilespmem:v29+s5+$0x0], $0xffff  }
.LBB2_15:
0x18d: {  	v6 =	vld [tilespmem:s23+$0x0];
	s22 =	sadd.s32 $0x200, s22;
	[tilespmem:s21+$0x110] =	vst v0  }
0x18e: {  	v0 =	vld [tilespmem:s23+$0xFFFFFE20];
	p0 =	slt.u32 s22, $0xE00;
	[tilespmem:s21+$0x120] =	vst v1  }
0x18f: {  	v1 =	vld [tilespmem:s23+$0xFFFFFE30];
	[tilespmem:s21+$0x130] =	vst v2  }
0x190: {  	v2 =	vld [tilespmem:s23+$0xFFFFFE40];
	[tilespmem:s21+$0x140] =	vst v3  }
0x191: {  	v3 =	vld [tilespmem:s23+$0xFFFFFE50];
	[tilespmem:s21+$0x150] =	vst v4  }
0x192: {  	v4 =	vld [tilespmem:s23+$0xFFFFFE60];
	[tilespmem:s21+$0x160] =	vst v5  }
0x193: {  	v5 =	vld [tilespmem:s23+$0xFFFFFE70]  }
0x194: {  	v7 =	vld [tilespmem:s23+$0xFFFFFE80]  }
0x195: {  	v6 =	vld.idx.msk [tilespmem:v6+s5+$0x0], $0xffff  }
0x196: {  	v8 =	vld [tilespmem:s23+$0xFFFFFE90]  }
0x197: {  	v9 =	vld [tilespmem:s23+$0xFFFFFEA0]  }
0x198: {  	v10 =	vld [tilespmem:s23+$0xFFFFFEB0]  }
0x199: {  	v11 =	vld [tilespmem:s23+$0xFFFFFEC0]  }
0x19a: {  	s21 =	sadd.s32 $0x400, s21;
	v12 =	vld [tilespmem:s23+$0xFFFFFED0]  }
0x19b: {  	v13 =	vld [tilespmem:s23+$0xFFFFFEE0];
	[tilespmem:s21+$0x170] =	vst v6  }
0x19c: {  	v6 =	vld [tilespmem:s23+$0xFFFFFEF0]  }
0x19d: {  	v14 =	vld [tilespmem:s23+$0xFFFFFF00]  }
0x19e: {  	v15 =	vld [tilespmem:s23+$0xFFFFFF10]  }
0x19f: {  	v16 =	vld [tilespmem:s23+$0xFFFFFF20]  }
0x1a0: {  	v17 =	vld [tilespmem:s23+$0xFFFFFF30]  }
0x1a1: {  	v18 =	vld [tilespmem:s23+$0xFFFFFF40]  }
0x1a2: {  	v19 =	vld [tilespmem:s23+$0xFFFFFF50]  }
0x1a3: {  	v20 =	vld [tilespmem:s23+$0xFFFFFF60]  }
0x1a4: {  	v21 =	vld [tilespmem:s23+$0xFFFFFF70]  }
0x1a5: {  	v22 =	vld [tilespmem:s23+$0xFFFFFF80]  }
0x1a6: {  	v23 =	vld [tilespmem:s23+$0xFFFFFF90]  }
0x1a7: {  	v24 =	vld [tilespmem:s23+$0xFFFFFFA0]  }
0x1a8: {  	v25 =	vld [tilespmem:s23+$0xFFFFFFB0]  }
0x1a9: {  	v26 =	vld [tilespmem:s23+$0xFFFFFFC0]  }
0x1aa: {  	v27 =	vld [tilespmem:s23+$0xFFFFFFD0]  }
0x1ab: {  	v28 =	vld [tilespmem:s23+$0xFFFFFFE0]  }
0x1ac: {  	v29 =	vld [tilespmem:s23+$0xFFFFFFF0]  }
0x1ad: {  	v30 =	vld [tilespmem:s23+$0xFFFFFE10]  }
0x1ae: {  	v0 =	vld.idx.msk [tilespmem:v0+s5+$0x0], $0xffff  }
0x1af: {  	v1 =	vld.idx.msk [tilespmem:v1+s5+$0x0], $0xffff  }
0x1b0: {  	v2 =	vld.idx.msk [tilespmem:v2+s5+$0x0], $0xffff  }
0x1b1: {  	v3 =	vld.idx.msk [tilespmem:v3+s5+$0x0], $0xffff  }
0x1b2: {  	v4 =	vld.idx.msk [tilespmem:v4+s5+$0x0], $0xffff  }
0x1b3: {  	v5 =	vld.idx.msk [tilespmem:v5+s5+$0x0], $0xffff  }
0x1b4: {  	[tilespmem:s21+$0xFFFFFE10] =	vst v0;
	v0 =	vld.idx.msk [tilespmem:v7+s5+$0x0], $0xffff  }
0x1b5: {  	v7 =	vld.idx.msk [tilespmem:v30+s5+$0x0], $0xffff;
	[tilespmem:s21+$0xFFFFFE20] =	vst v1  }
0x1b6: {  	[tilespmem:s21+$0xFFFFFE30] =	vst v2;
	v1 =	vld.idx.msk [tilespmem:v8+s5+$0x0], $0xffff  }
0x1b7: {  	[tilespmem:s21+$0xFFFFFE40] =	vst v3;
	v2 =	vld.idx.msk [tilespmem:v9+s5+$0x0], $0xffff  }
0x1b8: {  	[tilespmem:s21+$0xFFFFFE50] =	vst v4;
	v3 =	vld.idx.msk [tilespmem:v10+s5+$0x0], $0xffff  }
0x1b9: {  	[tilespmem:s21+$0xFFFFFE60] =	vst v5;
	v4 =	vld.idx.msk [tilespmem:v11+s5+$0x0], $0xffff  }
0x1ba: {  	[tilespmem:s21+$0xFFFFFE70] =	vst v0;
	v0 =	vld.idx.msk [tilespmem:v12+s5+$0x0], $0xffff  }
0x1bb: {  	[tilespmem:s21+$0xFFFFFE00] =	vst v7;
	v5 =	vld.idx.msk [tilespmem:v13+s5+$0x0], $0xffff  }
0x1bc: {  	[tilespmem:s21+$0xFFFFFF00] =	vst v1;
	v1 =	vld.idx.msk [tilespmem:v6+s5+$0x0], $0xffff  }
0x1bd: {  	[tilespmem:s21+$0xFFFFFF10] =	vst v2;
	v2 =	vld.idx.msk [tilespmem:v14+s5+$0x0], $0xffff  }
0x1be: {  	[tilespmem:s21+$0xFFFFFF20] =	vst v3;
	v3 =	vld.idx.msk [tilespmem:v15+s5+$0x0], $0xffff  }
0x1bf: {  	[tilespmem:s21+$0xFFFFFF30] =	vst v4;
	v4 =	vld.idx.msk [tilespmem:v16+s5+$0x0], $0xffff  }
0x1c0: {  	[tilespmem:s21+$0xFFFFFF40] =	vst v0;
	v0 =	vld.idx.msk [tilespmem:v17+s5+$0x0], $0xffff  }
0x1c1: {  	[tilespmem:s21+$0xFFFFFF50] =	vst v5;
	v5 =	vld.idx.msk [tilespmem:v18+s5+$0x0], $0xffff  }
0x1c2: {  	[tilespmem:s21+$0xFFFFFF60] =	vst v1;
	v1 =	vld.idx.msk [tilespmem:v19+s5+$0x0], $0xffff  }
0x1c3: {  	[tilespmem:s21+$0xFFFFFF70] =	vst v2;
	v2 =	vld.idx.msk [tilespmem:v20+s5+$0x0], $0xffff  }
0x1c4: {  	[tilespmem:s21+$0x0] =	vst v3;
	v3 =	vld.idx.msk [tilespmem:v21+s5+$0x0], $0xffff  }
0x1c5: {  	[tilespmem:s21+$0x10] =	vst v4;
	v4 =	vld.idx.msk [tilespmem:v22+s5+$0x0], $0xffff  }
0x1c6: {  	[tilespmem:s21+$0x20] =	vst v0;
	v6 =	vld.idx.msk [tilespmem:v23+s5+$0x0], $0xffff  }
0x1c7: {  	[tilespmem:s21+$0x30] =	vst v5;
	v0 =	vld.idx.msk [tilespmem:v24+s5+$0x0], $0xffff  }
.Ltmp7:
0x1c8: {  	[tilespmem:s21+$0x40] =	vst v1;
	v1 =	vld.idx.msk [tilespmem:v25+s5+$0x0], $0xffff;
	(pc) =	sbr.rel @p0 .LBB2_15-.Ltmp7, $4  }
0x1c9: {  	[tilespmem:s21+$0x50] =	vst v2;
	v2 =	vld.idx.msk [tilespmem:v26+s5+$0x0], $0xffff  }
0x1ca: {  	[tilespmem:s21+$0x60] =	vst v3;
	v3 =	vld.idx.msk [tilespmem:v27+s5+$0x0], $0xffff  }
0x1cb: {  	[tilespmem:s21+$0x70] =	vst v4;
	v4 =	vld.idx.msk [tilespmem:v28+s5+$0x0], $0xffff  }
0x1cc: {  	s23 =	sadd.s32 $0x200, s23;
	[tilespmem:s21+$0x100] =	vst v6;
	v5 =	vld.idx.msk [tilespmem:v29+s5+$0x0], $0xffff  }
0x1cd: {  	[tilespmem:s21+$0x110] =	vst v0  }
0x1ce: {  	[tilespmem:s21+$0x120] =	vst v1  }
0x1cf: {  	[tilespmem:s21+$0x130] =	vst v2  }
0x1d0: {  	[tilespmem:s21+$0x140] =	vst v3  }
0x1d1: {  	s22 =	sadd.s32 s20, s8;
	s23 =	simm.s32 $0x1C700;
	[tilespmem:s21+$0x150] =	vst v4  }
0x1d2: {  	s24 =	simm.s32 $0x1C800;
	s25 =	sadd.s32 $0x0, s22;
	[tilespmem:s21+$0x160] =	vst v5;
	s21 =	simm.s32 $0x80  }
.LBB2_17:
0x1d3: {  	[hbm4b:s25+s5] =	stream.linear.scatter [tilespmem:s23], [sflag:$0x2], $0x80, $0x38;
	[tilespmem:$0x1E700] =	vst v63  }
0x1d4: {  	s25 =	smov.u32 s21;
	s23 =	smov.u32 s24;
	p0 =	sne.s32 s21, $0xF80  }
.Ltmp8:
0x1d5: {  	s21 =	sadd.s32 $0x80, s21;
	(pc) =	sbr.rel @p0 .LBB2_17-.Ltmp8, $2  }
0x1d6: {  	_ =	sdelay $0x2  }
0x1d7: {  	s24 =	sadd.s32 $0x100, s24;
	s25 =	sadd.s32 s25, s22  }
0x1d8: {  	[hbm4b:s25+s5] =	stream.linear.scatter [tilespmem:s23], [sflag:$0x2], $0x80, $0x38;
	[tilespmem:$0x1E700] =	vst v63  }
0x1d9: {  	_ =	swait.ge [sflag:s17], $0x1000  }
0x1da: {  	[sflag:s17] =	ssyncset.done $0x0  }
0x1db: {  	s21 =	simm.s32 $0x1B8F0;
	[sflag:s17] =	ssyncadd.s32 $0xFFFFF000  }
0x1dc: {  	v0 =	vld [tilespmem:s21+$0x0]  }
0x1dd: {  	v1 =	vld [tilespmem:s21+$0xFFFFFE20]  }
0x1de: {  	v2 =	vld [tilespmem:s21+$0xFFFFFE30]  }
0x1df: {  	v3 =	vld [tilespmem:s21+$0xFFFFFE40]  }
0x1e0: {  	v4 =	vld [tilespmem:s21+$0xFFFFFE50]  }
0x1e1: {  	v5 =	vld [tilespmem:s21+$0xFFFFFE60]  }
0x1e2: {  	v6 =	vld [tilespmem:s21+$0xFFFFFE70]  }
0x1e3: {  	v7 =	vld [tilespmem:s21+$0xFFFFFE80]  }
0x1e4: {  	v8 =	vld [tilespmem:s21+$0xFFFFFE90]  }
0x1e5: {  	v9 =	vld [tilespmem:s21+$0xFFFFFEA0]  }
0x1e6: {  	v10 =	vld [tilespmem:s21+$0xFFFFFEB0]  }
0x1e7: {  	v11 =	vld [tilespmem:s21+$0xFFFFFEC0]  }
0x1e8: {  	v12 =	vld [tilespmem:s21+$0xFFFFFED0]  }
0x1e9: {  	v13 =	vld [tilespmem:s21+$0xFFFFFEE0]  }
0x1ea: {  	v14 =	vld [tilespmem:s21+$0xFFFFFEF0]  }
0x1eb: {  	v15 =	vld [tilespmem:s21+$0xFFFFFF00]  }
0x1ec: {  	v16 =	vld [tilespmem:s21+$0xFFFFFF10]  }
0x1ed: {  	v17 =	vld [tilespmem:s21+$0xFFFFFF20]  }
0x1ee: {  	v18 =	vld [tilespmem:s21+$0xFFFFFF30]  }
0x1ef: {  	v19 =	vld [tilespmem:s21+$0xFFFFFF40]  }
0x1f0: {  	v20 =	vld [tilespmem:s21+$0xFFFFFF50]  }
0x1f1: {  	v21 =	vld [tilespmem:s21+$0xFFFFFF60]  }
0x1f2: {  	v22 =	vld [tilespmem:s21+$0xFFFFFF70]  }
0x1f3: {  	v23 =	vld [tilespmem:s21+$0xFFFFFF80]  }
0x1f4: {  	v24 =	vld [tilespmem:s21+$0xFFFFFF90]  }
0x1f5: {  	v25 =	vld [tilespmem:s21+$0xFFFFFFA0]  }
0x1f6: {  	v26 =	vld [tilespmem:s21+$0xFFFFFFB0]  }
0x1f7: {  	v27 =	vld [tilespmem:s21+$0xFFFFFFC0]  }
0x1f8: {  	v28 =	vld [tilespmem:s21+$0xFFFFFFD0]  }
0x1f9: {  	v29 =	vld [tilespmem:s21+$0xFFFFFFE0]  }
0x1fa: {  	v30 =	vld [tilespmem:s21+$0xFFFFFFF0]  }
0x1fb: {  	v31 =	vld [tilespmem:s21+$0xFFFFFE10]  }
0x1fc: {  	v0 =	vld.idx.msk [tilespmem:v0+s5+$0x0], $0xffff  }
0x1fd: {  	v1 =	vld.idx.msk [tilespmem:v1+s5+$0x0], $0xffff  }
0x1fe: {  	v2 =	vld.idx.msk [tilespmem:v2+s5+$0x0], $0xffff  }
0x1ff: {  	v3 =	vld.idx.msk [tilespmem:v3+s5+$0x0], $0xffff  }
0x200: {  	v4 =	vld.idx.msk [tilespmem:v4+s5+$0x0], $0xffff  }
0x201: {  	s21 =	simm.s32 $0x1C980;
	v5 =	vld.idx.msk [tilespmem:v5+s5+$0x0], $0xffff  }
0x202: {  	[tilespmem:s21+$0x170] =	vst v0;
	v0 =	vld.idx.msk [tilespmem:v6+s5+$0x0], $0xffff  }
0x203: {  	[tilespmem:s21+$0xFFFFFE10] =	vst v1;
	v1 =	vld.idx.msk [tilespmem:v7+s5+$0x0], $0xffff  }
0x204: {  	v6 =	vld.idx.msk [tilespmem:v31+s5+$0x0], $0xffff;
	[tilespmem:s21+$0xFFFFFE20] =	vst v2  }
0x205: {  	[tilespmem:s21+$0xFFFFFE30] =	vst v3;
	v2 =	vld.idx.msk [tilespmem:v8+s5+$0x0], $0xffff  }
0x206: {  	[tilespmem:s21+$0xFFFFFE40] =	vst v4;
	v3 =	vld.idx.msk [tilespmem:v9+s5+$0x0], $0xffff  }
0x207: {  	[tilespmem:s21+$0xFFFFFE50] =	vst v5;
	v4 =	vld.idx.msk [tilespmem:v10+s5+$0x0], $0xffff  }
0x208: {  	v5 =	vld.idx.msk [tilespmem:v13+s5+$0x0], $0xffff;
	[tilespmem:s21+$0xFFFFFE60] =	vst v0  }
0x209: {  	v7 =	vld.idx.msk [tilespmem:v24+s5+$0x0], $0xffff;
	[tilespmem:s21+$0xFFFFFE70] =	vst v1  }
0x20a: {  	v0 =	vld.idx.msk [tilespmem:v11+s5+$0x0], $0xffff;
	[tilespmem:s21+$0xFFFFFE00] =	vst v6  }
0x20b: {  	v1 =	vld.idx.msk [tilespmem:v12+s5+$0x0], $0xffff;
	[tilespmem:s21+$0xFFFFFF00] =	vst v2  }
0x20c: {  	v2 =	vld.idx.msk [tilespmem:v14+s5+$0x0], $0xffff;
	[tilespmem:s21+$0xFFFFFF10] =	vst v3  }
0x20d: {  	v3 =	vld.idx.msk [tilespmem:v15+s5+$0x0], $0xffff;
	[tilespmem:s21+$0xFFFFFF20] =	vst v4  }
0x20e: {  	v4 =	vld.idx.msk [tilespmem:v16+s5+$0x0], $0xffff;
	[tilespmem:s21+$0xFFFFFF50] =	vst v5  }
0x20f: {  	v5 =	vld.idx.msk [tilespmem:v19+s5+$0x0], $0xffff;
	[tilespmem:s21+$0x100] =	vst v7  }
0x210: {  	v6 =	vld.idx.msk [tilespmem:v23+s5+$0x0], $0xffff;
	[tilespmem:s21+$0xFFFFFF30] =	vst v0  }
0x211: {  	v0 =	vld.idx.msk [tilespmem:v17+s5+$0x0], $0xffff;
	[tilespmem:s21+$0xFFFFFF40] =	vst v1  }
0x212: {  	v1 =	vld.idx.msk [tilespmem:v18+s5+$0x0], $0xffff;
	[tilespmem:s21+$0xFFFFFF60] =	vst v2  }
0x213: {  	v2 =	vld.idx.msk [tilespmem:v20+s5+$0x0], $0xffff;
	[tilespmem:s21+$0xFFFFFF70] =	vst v3  }
0x214: {  	v3 =	vld.idx.msk [tilespmem:v21+s5+$0x0], $0xffff;
	[tilespmem:s21+$0x0] =	vst v4  }
0x215: {  	v4 =	vld.idx.msk [tilespmem:v22+s5+$0x0], $0xffff;
	[tilespmem:s21+$0x30] =	vst v5  }
0x216: {  	[tilespmem:s21+$0x70] =	vst v6;
	v5 =	vld.idx.msk [tilespmem:v30+s5+$0x0], $0xffff  }
0x217: {  	[tilespmem:s21+$0x10] =	vst v0;
	v0 =	vld.idx.msk [tilespmem:v25+s5+$0x0], $0xffff  }
0x218: {  	[tilespmem:s21+$0x20] =	vst v1;
	v1 =	vld.idx.msk [tilespmem:v26+s5+$0x0], $0xffff  }
0x219: {  	[tilespmem:s21+$0x40] =	vst v2;
	v2 =	vld.idx.msk [tilespmem:v27+s5+$0x0], $0xffff  }
0x21a: {  	[tilespmem:s21+$0x50] =	vst v3;
	v3 =	vld.idx.msk [tilespmem:v28+s5+$0x0], $0xffff  }
0x21b: {  	s22 =	simm.s32 $0x0;
	s23 =	simm.s32 $0x1BAF0;
	[tilespmem:s21+$0x60] =	vst v4;
	v4 =	vld.idx.msk [tilespmem:v29+s5+$0x0], $0xffff  }
.LBB2_19:
0x21c: {  	v6 =	vld [tilespmem:s23+$0x0];
	s22 =	sadd.s32 $0x200, s22;
	[tilespmem:s21+$0x110] =	vst v0  }
0x21d: {  	v0 =	vld [tilespmem:s23+$0xFFFFFE20];
	p0 =	slt.u32 s22, $0xE00;
	[tilespmem:s21+$0x120] =	vst v1  }
0x21e: {  	v1 =	vld [tilespmem:s23+$0xFFFFFE30];
	[tilespmem:s21+$0x130] =	vst v2  }
0x21f: {  	v2 =	vld [tilespmem:s23+$0xFFFFFE40];
	[tilespmem:s21+$0x140] =	vst v3  }
0x220: {  	v3 =	vld [tilespmem:s23+$0xFFFFFE50];
	[tilespmem:s21+$0x150] =	vst v4  }
0x221: {  	v4 =	vld [tilespmem:s23+$0xFFFFFE60];
	[tilespmem:s21+$0x160] =	vst v5  }
0x222: {  	v5 =	vld [tilespmem:s23+$0xFFFFFE70]  }
0x223: {  	v7 =	vld [tilespmem:s23+$0xFFFFFE80]  }
0x224: {  	v6 =	vld.idx.msk [tilespmem:v6+s5+$0x0], $0xffff  }
0x225: {  	v8 =	vld [tilespmem:s23+$0xFFFFFE90]  }
0x226: {  	v9 =	vld [tilespmem:s23+$0xFFFFFEA0]  }
0x227: {  	v10 =	vld [tilespmem:s23+$0xFFFFFEB0]  }
0x228: {  	v11 =	vld [tilespmem:s23+$0xFFFFFEC0]  }
0x229: {  	s21 =	sadd.s32 $0x400, s21;
	v12 =	vld [tilespmem:s23+$0xFFFFFED0]  }
0x22a: {  	v13 =	vld [tilespmem:s23+$0xFFFFFEE0];
	[tilespmem:s21+$0x170] =	vst v6  }
0x22b: {  	v6 =	vld [tilespmem:s23+$0xFFFFFEF0]  }
0x22c: {  	v14 =	vld [tilespmem:s23+$0xFFFFFF00]  }
0x22d: {  	v15 =	vld [tilespmem:s23+$0xFFFFFF10]  }
0x22e: {  	v16 =	vld [tilespmem:s23+$0xFFFFFF20]  }
0x22f: {  	v17 =	vld [tilespmem:s23+$0xFFFFFF30]  }
0x230: {  	v18 =	vld [tilespmem:s23+$0xFFFFFF40]  }
0x231: {  	v19 =	vld [tilespmem:s23+$0xFFFFFF50]  }
0x232: {  	v20 =	vld [tilespmem:s23+$0xFFFFFF60]  }
0x233: {  	v21 =	vld [tilespmem:s23+$0xFFFFFF70]  }
0x234: {  	v22 =	vld [tilespmem:s23+$0xFFFFFF80]  }
0x235: {  	v23 =	vld [tilespmem:s23+$0xFFFFFF90]  }
0x236: {  	v24 =	vld [tilespmem:s23+$0xFFFFFFA0]  }
0x237: {  	v25 =	vld [tilespmem:s23+$0xFFFFFFB0]  }
0x238: {  	v26 =	vld [tilespmem:s23+$0xFFFFFFC0]  }
0x239: {  	v27 =	vld [tilespmem:s23+$0xFFFFFFD0]  }
0x23a: {  	v28 =	vld [tilespmem:s23+$0xFFFFFFE0]  }
0x23b: {  	v29 =	vld [tilespmem:s23+$0xFFFFFFF0]  }
0x23c: {  	v30 =	vld [tilespmem:s23+$0xFFFFFE10]  }
0x23d: {  	v0 =	vld.idx.msk [tilespmem:v0+s5+$0x0], $0xffff  }
0x23e: {  	v1 =	vld.idx.msk [tilespmem:v1+s5+$0x0], $0xffff  }
0x23f: {  	v2 =	vld.idx.msk [tilespmem:v2+s5+$0x0], $0xffff  }
0x240: {  	v3 =	vld.idx.msk [tilespmem:v3+s5+$0x0], $0xffff  }
0x241: {  	v4 =	vld.idx.msk [tilespmem:v4+s5+$0x0], $0xffff  }
0x242: {  	v5 =	vld.idx.msk [tilespmem:v5+s5+$0x0], $0xffff  }
0x243: {  	[tilespmem:s21+$0xFFFFFE10] =	vst v0;
	v0 =	vld.idx.msk [tilespmem:v7+s5+$0x0], $0xffff  }
0x244: {  	v7 =	vld.idx.msk [tilespmem:v30+s5+$0x0], $0xffff;
	[tilespmem:s21+$0xFFFFFE20] =	vst v1  }
0x245: {  	[tilespmem:s21+$0xFFFFFE30] =	vst v2;
	v1 =	vld.idx.msk [tilespmem:v8+s5+$0x0], $0xffff  }
0x246: {  	[tilespmem:s21+$0xFFFFFE40] =	vst v3;
	v2 =	vld.idx.msk [tilespmem:v9+s5+$0x0], $0xffff  }
0x247: {  	[tilespmem:s21+$0xFFFFFE50] =	vst v4;
	v3 =	vld.idx.msk [tilespmem:v10+s5+$0x0], $0xffff  }
0x248: {  	[tilespmem:s21+$0xFFFFFE60] =	vst v5;
	v4 =	vld.idx.msk [tilespmem:v11+s5+$0x0], $0xffff  }
0x249: {  	[tilespmem:s21+$0xFFFFFE70] =	vst v0;
	v0 =	vld.idx.msk [tilespmem:v12+s5+$0x0], $0xffff  }
0x24a: {  	[tilespmem:s21+$0xFFFFFE00] =	vst v7;
	v5 =	vld.idx.msk [tilespmem:v13+s5+$0x0], $0xffff  }
0x24b: {  	[tilespmem:s21+$0xFFFFFF00] =	vst v1;
	v1 =	vld.idx.msk [tilespmem:v6+s5+$0x0], $0xffff  }
0x24c: {  	[tilespmem:s21+$0xFFFFFF10] =	vst v2;
	v2 =	vld.idx.msk [tilespmem:v14+s5+$0x0], $0xffff  }
0x24d: {  	[tilespmem:s21+$0xFFFFFF20] =	vst v3;
	v3 =	vld.idx.msk [tilespmem:v15+s5+$0x0], $0xffff  }
0x24e: {  	[tilespmem:s21+$0xFFFFFF30] =	vst v4;
	v4 =	vld.idx.msk [tilespmem:v16+s5+$0x0], $0xffff  }
0x24f: {  	[tilespmem:s21+$0xFFFFFF40] =	vst v0;
	v0 =	vld.idx.msk [tilespmem:v17+s5+$0x0], $0xffff  }
0x250: {  	[tilespmem:s21+$0xFFFFFF50] =	vst v5;
	v5 =	vld.idx.msk [tilespmem:v18+s5+$0x0], $0xffff  }
0x251: {  	[tilespmem:s21+$0xFFFFFF60] =	vst v1;
	v1 =	vld.idx.msk [tilespmem:v19+s5+$0x0], $0xffff  }
0x252: {  	[tilespmem:s21+$0xFFFFFF70] =	vst v2;
	v2 =	vld.idx.msk [tilespmem:v20+s5+$0x0], $0xffff  }
0x253: {  	[tilespmem:s21+$0x0] =	vst v3;
	v3 =	vld.idx.msk [tilespmem:v21+s5+$0x0], $0xffff  }
0x254: {  	[tilespmem:s21+$0x10] =	vst v4;
	v4 =	vld.idx.msk [tilespmem:v22+s5+$0x0], $0xffff  }
0x255: {  	[tilespmem:s21+$0x20] =	vst v0;
	v6 =	vld.idx.msk [tilespmem:v23+s5+$0x0], $0xffff  }
0x256: {  	[tilespmem:s21+$0x30] =	vst v5;
	v0 =	vld.idx.msk [tilespmem:v24+s5+$0x0], $0xffff  }
.Ltmp9:
0x257: {  	[tilespmem:s21+$0x40] =	vst v1;
	v1 =	vld.idx.msk [tilespmem:v25+s5+$0x0], $0xffff;
	(pc) =	sbr.rel @p0 .LBB2_19-.Ltmp9, $4  }
0x258: {  	[tilespmem:s21+$0x50] =	vst v2;
	v2 =	vld.idx.msk [tilespmem:v26+s5+$0x0], $0xffff  }
0x259: {  	[tilespmem:s21+$0x60] =	vst v3;
	v3 =	vld.idx.msk [tilespmem:v27+s5+$0x0], $0xffff  }
0x25a: {  	[tilespmem:s21+$0x70] =	vst v4;
	v4 =	vld.idx.msk [tilespmem:v28+s5+$0x0], $0xffff  }
0x25b: {  	s23 =	sadd.s32 $0x200, s23;
	[tilespmem:s21+$0x100] =	vst v6;
	v5 =	vld.idx.msk [tilespmem:v29+s5+$0x0], $0xffff  }
0x25c: {  	[tilespmem:s21+$0x110] =	vst v0  }
0x25d: {  	[tilespmem:s21+$0x120] =	vst v1  }
0x25e: {  	[tilespmem:s21+$0x130] =	vst v2  }
0x25f: {  	[tilespmem:s21+$0x140] =	vst v3  }
0x260: {  	s20 =	sadd.s32 s20, s9;
	s22 =	simm.s32 $0x1C780;
	[tilespmem:s21+$0x150] =	vst v4  }
0x261: {  	s23 =	simm.s32 $0x1C880;
	s24 =	sadd.s32 $0x0, s20;
	[tilespmem:s21+$0x160] =	vst v5;
	s21 =	simm.s32 $0x80  }
.LBB2_21:
0x262: {  	[hbm4b:s24+s5] =	stream.linear.scatter [tilespmem:s22], [sflag:$0x3], $0x80, $0x38;
	[tilespmem:$0x1E700] =	vst v63  }
0x263: {  	s24 =	smov.u32 s21;
	s22 =	smov.u32 s23;
	p0 =	sne.s32 s21, $0xF80  }
.Ltmp10:
0x264: {  	s21 =	sadd.s32 $0x80, s21;
	(pc) =	sbr.rel @p0 .LBB2_21-.Ltmp10, $2  }
0x265: {  	_ =	sdelay $0x2  }
0x266: {  	s23 =	sadd.s32 $0x100, s23;
	s24 =	sadd.s32 s24, s20  }
0x267: {  	s19 =	sadd.s32 $0x1, s19  }
0x268: {  	p0 =	sne.s32 s19, $0x1A  }
.Ltmp11:
0x269: {  	_ = 	snop;
	(pc) =	sbr.rel @p0 .LBB2_2-.Ltmp11, $2  }
0x26a: {  	_ =	sdelay $0x2  }
0x26b: {  	[hbm4b:s24+s5] =	stream.linear.scatter [tilespmem:s22], [sflag:$0x3], $0x80, $0x38;
	[tilespmem:$0x1E700] =	vst v63  }
0x26c: {  	s18 =	sadd.s32 $0x1, s18  }
0x26d: {  	_ =	swait.ge [sflag:s16], $0x1000;
	p0 =	sne.s32 s18, s10  }
.Ltmp12:
0x26e: {  	[sflag:s16] =	ssyncset.done $0x0;
	(pc) =	sbr.rel @p0 .LBB2_1-.Ltmp12, $4  }
0x26f: {  	[sflag:s16] =	ssyncadd.s32 $0xFFFFF000  }
0x270: {  	_ =	swait.ge [sflag:s17], $0x1000  }
0x271: {  	[sflag:s17] =	ssyncset.done $0x0  }
0x272: {  	[sflag:s17] =	ssyncadd.s32 $0xFFFFF000  }
0x273: {  	_ =	sfence.sel $0x180000  }
0x274: {  	[bflag:$0x0] =	sbarrier.arrive $0xFFFF  }
0x275: {  	p0 =	sne.s32 s2, $0x0;
	_ =	strace $0x90000047  }
0x276: {  	s0 =	sadd.s32 @!p0 $0x100000, s0;
	[bflag:$0x2] =	sbarrier.arrive $0xFFFF  }
0x277: {  	[sflag:s0] =	ssyncadd.tile.s32 @!p0 $0x1;
	_ =	shalt  }
.Lfunc_end2:
_tile_overlayer_lowered:
.L_overlay_start_2:
0x278: {  	(tag) =	ssettag $0x2  }
0x279: {  	s0 =	rddreg [dreg:$0x0];
	s2 =	stileid.u32  }
0x27a: {  	s1 =	rddreg [dreg:$0x1];
	p0 =	sne.s32 s2, $0x0  }
0x27b: {  	s3 =	rddreg [dreg:$0x2];
	[bflag:$0x3] =	sbarrier.arrive $0xFFFF;
	s2 =	simm.s32 @!p0 $0x1C04  }
0x27c: {  	[timem:s3], [sflag:s2] =	dma.local @!p0 [hbm:s0], s1  }
0x27d: {  	s0 =	simm.s32 @!p0 $0x4  }
0x27e: {  	_ =	swait.ge @!p0 [sflag:s0], s1  }
0x27f: {  	s1 =	ssub.s32 @!p0 $0x0, s1;
	[sflag:s0] =	ssyncset.done @!p0 $0x0  }
0x280: {  	[sflag:s0] =	ssyncadd.s32 @!p0 s1  }
0x281: {  	[bflag:$0x3] =	sbarrier.arrive $0xFFFF  }
0x282: {  	_ =	shalt  }

</sc_bundles>
